<compile_context>
chip_gen: v7x
topology: tpu7x:2x2x1
jax: 0.10.2.dev20260603
libtpu: 0.0.44.dev20260713+nightly
codegen_flags: <defaults>
</compile_context>

<pallas_src>
import functools

import jax
import jax.numpy as jnp
from jax import lax
from jax.experimental import pallas as pl
from jax.experimental.pallas import tpu as pltpu
from jax.experimental.pallas import tpu_sc as plsc

D = 128
TROWS = 128
KPAD = 8
C = 128
NC = 2
NS = 16
NW = NC * NS
NB = 7
STAGE = 4


def _proj_body(fm_ref, w_ref, b_ref, o_ref):
    n = fm_ref.shape[0]
    o_ref[pl.ds(0, n), :] = (
        jnp.dot(fm_ref[...], w_ref[...], preferred_element_type=jnp.float32)
        + b_ref[...]
    )


def _build_table(fm, w, b_row):
    return pl.pallas_call(
        _proj_body,
        out_shape=jax.ShapeDtypeStruct((TROWS, D), jnp.float32),
    )(fm, w, b_row)


def _make_gather(n_rows):
    nchunk = n_rows // C
    nk = -(-nchunk // NW)
    nkp = -(-nk // (NB * STAGE)) * NB * STAGE
    ng = nkp // NB
    nchunk_pad = NW * nkp

    mesh = plsc.VectorSubcoreMesh(core_axis_name="c", subcore_axis_name="s")

    @functools.partial(
        pl.kernel,
        mesh=mesh,
        out_type=jax.ShapeDtypeStruct((n_rows, D), jnp.float32),
        scratch_types=[
            pltpu.VMEM((2 * STAGE * NB * C,), jnp.int32),
            pltpu.VMEM((NB, C, D), jnp.float32),
            pltpu.VMEM_SHARED((TROWS, D), jnp.float32),
        ]
        + [pltpu.SemaphoreType.DMA] * (1 + 2 * NB),
    )
    def gather(table_hbm, idxc_hbm, out_hbm, idx_v, rows_v, table_v, *sems):
        i_sem = sems[0]
        g_sem = sems[1 : 1 + NB]
        o_sem = sems[1 + NB : 1 + 2 * NB]
        wid = lax.axis_index("s") * NC + lax.axis_index("c")
        chunk_w0 = wid * nkp

        @pl.when(lax.axis_index("s") == 0)
        def _():
            pltpu.sync_copy(table_hbm, table_v)

        plsc.subcore_barrier()

        SZ = STAGE * NB * C

        pltpu.async_copy(
            idxc_hbm.at[pl.ds(chunk_w0 * C, SZ)], idx_v.at[pl.ds(0, SZ)], i_sem
        )

        def group(m, carry):
            chunk0 = chunk_w0 + m * NB
            s = lax.div(m, STAGE)
            half_off = lax.rem(s, 2) * SZ
            stage_off = lax.rem(m, STAGE) * NB * C

            @pl.when(lax.rem(m, STAGE) == 0)
            def _():
                pltpu.make_async_copy(
                    idxc_hbm.at[pl.ds(0, SZ)], idx_v.at[pl.ds(0, SZ)], i_sem
                ).wait()

                @pl.when(m + STAGE < ng)
                def _():
                    nxt_off = pl.multiple_of((1 - lax.rem(s, 2)) * SZ, C)
                    pltpu.async_copy(
                        idxc_hbm.at[pl.ds((chunk0 + STAGE * NB) * C, SZ)],
                        idx_v.at[pl.ds(nxt_off, SZ)],
                        i_sem,
                    )

            for b in range(NB):
                chunk = chunk0 + b
                ioff = pl.multiple_of(half_off + stage_off + b * C, C)
                prev_valid = (m > 0) & (chunk - NB < nchunk)

                @pl.when(prev_valid)
                def _():
                    pltpu.make_async_copy(
                        rows_v.at[b], out_hbm.at[pl.ds(0, C)], o_sem[b]
                    ).wait()

                @pl.when(chunk < nchunk)
                def _():
                    pltpu.async_copy(
                        table_v.at[idx_v.at[pl.ds(ioff, C)]],
                        rows_v.at[b],
                        g_sem[b],
                    )

            for b in range(NB):
                chunk = chunk0 + b
                ioff = pl.multiple_of(half_off + stage_off + b * C, C)

                @pl.when(chunk < nchunk)
                def _():
                    pltpu.make_async_copy(
                        table_v.at[idx_v.at[pl.ds(ioff, C)]],
                        rows_v.at[b],
                        g_sem[b],
                    ).wait()
                    pltpu.async_copy(
                        rows_v.at[b], out_hbm.at[pl.ds(chunk * C, C)], o_sem[b]
                    )

            return carry

        lax.fori_loop(0, ng, group, 0)
        for b in range(NB):
            chunk_last = chunk_w0 + (ng - 1) * NB + b

            @pl.when(chunk_last < nchunk)
            def _():
                pltpu.make_async_copy(
                    rows_v.at[b], out_hbm.at[pl.ds(0, C)], o_sem[b]
                ).wait()

    def run(table, idx):
        pad = nchunk_pad * C - n_rows
        idxc = jnp.pad(idx, (0, pad))
        return gather(table, idxc)

    return run


def kernel(src, feature_map, W, b):
    table = _build_table(
        feature_map.astype(jnp.float32),
        W.astype(jnp.float32),
        b.reshape(1, D).astype(jnp.float32),
    )
    idx = src.astype(jnp.int32)
    return _make_gather(src.shape[0])(table, idx)

# --- scband reference (transcript-rebuilt; emitter-appended) ---
"""Pipeline reference for scband-atom-feature-encoder-70987219468541 (READ-ONLY COPY).

The authoritative reference and input builder live on the scoring server;
editing this copy changes nothing except your own understanding.
"""

import jax, jax.numpy as jnp
import numpy as np

N_SRC = 2000000
TABLE_ROWS = 119  # 118 elements + padding row 0
INPUT_DIM = 3
OUT_DIM = 128

def setup_inputs(seed: int = 0) -> dict:
    key = jax.random.key(seed)
    k1, k2, k3, k4 = jax.random.split(key, 4)
    src = jax.random.randint(k1, (N_SRC,), 0, TABLE_ROWS, dtype=jnp.int64)
    # feature_map stands in for the PeriodicTable-derived [119, 3] buffer
    # (row 0 is the zero padding row, like F.pad in the original)
    fm = jax.random.uniform(k2, (TABLE_ROWS, INPUT_DIM), dtype=jnp.float32)
    feature_map = fm.at[0].set(0.0)
    # nn.Linear params
    bound = 1.0 / np.sqrt(INPUT_DIM)
    W = jax.random.uniform(k3, (INPUT_DIM, OUT_DIM), dtype=jnp.float32, minval=-bound, maxval=bound)
    b = jax.random.uniform(k4, (OUT_DIM,), dtype=jnp.float32, minval=-bound, maxval=bound)
    return {"src": src, "feature_map": feature_map, "W": W, "b": b}

def reference(src, feature_map, W, b):
    # atom_fea = feature_map[src]  (gather)
    atom_fea = jnp.take(feature_map, src, axis=0).astype(jnp.float32)
    # atom_fea = self.proj(atom_fea)
    out = atom_fea @ W + b
    return out

if __name__ == "__main__":
    import jax
    _d = setup_inputs()
    print(jax.jit(kernel)(*tuple(_d.values())))

</pallas_src>

<mosaic_0001>
#map = affine_map<(d0, d1) -> (0, 0)>
#map1 = affine_map<(d0, d1) -> (0)>
module attributes {stable_mosaic.version = 14 : i64} {
  func.func @gather(%arg0: i32, %arg1: i32, %arg2: memref<128x128xf32, #tpu.memory_space<hbm>>, %arg3: memref<2064384xi32, #tpu.memory_space<hbm>>, %arg4: memref<2000000x128xf32, #tpu.memory_space<hbm>>, %arg5: memref<7168xi32, #tpu.memory_space<vmem>>, %arg6: memref<7x128x128xf32, #tpu.memory_space<vmem>>, %arg7: memref<128x128xf32, #tpu.memory_space<vmem_shared>>, %arg8: memref<!tpu.dma_semaphore, #tpu.memory_space<semaphore_mem>>, %arg9: memref<!tpu.dma_semaphore, #tpu.memory_space<semaphore_mem>>, %arg10: memref<!tpu.dma_semaphore, #tpu.memory_space<semaphore_mem>>, %arg11: memref<!tpu.dma_semaphore, #tpu.memory_space<semaphore_mem>>, %arg12: memref<!tpu.dma_semaphore, #tpu.memory_space<semaphore_mem>>, %arg13: memref<!tpu.dma_semaphore, #tpu.memory_space<semaphore_mem>>, %arg14: memref<!tpu.dma_semaphore, #tpu.memory_space<semaphore_mem>>, %arg15: memref<!tpu.dma_semaphore, #tpu.memory_space<semaphore_mem>>, %arg16: memref<!tpu.dma_semaphore, #tpu.memory_space<semaphore_mem>>, %arg17: memref<!tpu.dma_semaphore, #tpu.memory_space<semaphore_mem>>, %arg18: memref<!tpu.dma_semaphore, #tpu.memory_space<semaphore_mem>>, %arg19: memref<!tpu.dma_semaphore, #tpu.memory_space<semaphore_mem>>, %arg20: memref<!tpu.dma_semaphore, #tpu.memory_space<semaphore_mem>>, %arg21: memref<!tpu.dma_semaphore, #tpu.memory_space<semaphore_mem>>, %arg22: memref<!tpu.dma_semaphore, #tpu.memory_space<semaphore_mem>>) attributes {dimension_semantics = [#tpu.dimension_semantics<core_parallel>, #tpu.dimension_semantics<subcore_parallel>], iteration_bounds = array<i64: 2, 16>, scalar_prefetch = 0 : i64, scratch_operands = 18 : i64, tpu.core_type = #tpu.core_type<sc_vector_subcore>, window_params = [{transform_indices = #map}, {transform_indices = #map1}, {transform_indices = #map}]} {
    %mul3A = arith.constant 2 : i32
    %mul3A_0 = arith.muli %arg1, %mul3A : i32
    %add3A = arith.addi %mul3A_0, %arg0 : i32
    %mul3A_1 = arith.constant 504 : i32
    %mul3A_2 = arith.muli %add3A, %mul3A_1 : i32
    %eq3A = arith.constant 0 : i32
    %eq3A_3 = arith.cmpi eq, %arg1, %eq3A : i32
    %convert_element_type3A = arith.extui %eq3A_3 : i1 to i32
    %cond3A = arith.constant 0 : i32
    %cond3A_4 = arith.cmpi ne, %convert_element_type3A, %cond3A : i32
    scf.if %cond3A_4 {
      "tpu.region"() ({
        %run_scoped3A = tpu.sem_alloc : memref<!tpu.dma_semaphore, #tpu.memory_space<semaphore_mem>>
        tpu.enqueue_dma source(%arg2 : memref<128x128xf32, #tpu.memory_space<hbm>>) target(%arg7 : memref<128x128xf32, #tpu.memory_space<vmem_shared>>) target_semaphore(%run_scoped3A : memref<!tpu.dma_semaphore, #tpu.memory_space<semaphore_mem>>)
        tpu.wait_dma2 semaphore(%run_scoped3A : memref<!tpu.dma_semaphore, #tpu.memory_space<semaphore_mem>>) src(%arg2 : memref<128x128xf32, #tpu.memory_space<hbm>>) dst(%arg7 : memref<128x128xf32, #tpu.memory_space<vmem_shared>>)
        tpu.yield
      }) : () -> ()
    } else {
    }
    %barrier3A = arith.constant 0 : index
    tpu.barrier barrier_id(%barrier3A)
    %mul3A_5 = arith.constant 128 : i32
    %mul3A_6 = arith.muli %mul3A_2, %mul3A_5 : i32
    %dma_start3A = arith.constant 0 : i32
    %dma_start3A_7 = tpu.memref_slice %arg5[%dma_start3A] : memref<7168xi32, #tpu.memory_space<vmem>> -> memref<3584xi32, #tpu.memory_space<vmem>>
    %dma_start3A_8 = tpu.memref_slice %arg3[%mul3A_6] : memref<2064384xi32, #tpu.memory_space<hbm>> -> memref<3584xi32, #tpu.memory_space<hbm>>
    %dma_start3A_9 = arith.constant 0 : i32
    %dma_start3A_10 = tpu.memref_slice %arg5[%dma_start3A_9] : memref<7168xi32, #tpu.memory_space<vmem>> -> memref<3584xi32, #tpu.memory_space<vmem>>
    %dma_start3A_11 = tpu.memref_slice %arg3[%mul3A_6] : memref<2064384xi32, #tpu.memory_space<hbm>> -> memref<3584xi32, #tpu.memory_space<hbm>>
    tpu.enqueue_dma source(%dma_start3A_11 : memref<3584xi32, #tpu.memory_space<hbm>>) target(%dma_start3A_10 : memref<3584xi32, #tpu.memory_space<vmem>>) target_semaphore(%arg8 : memref<!tpu.dma_semaphore, #tpu.memory_space<semaphore_mem>>)
    %scan3A = arith.constant 0 : i32
    %scan3A_12 = arith.constant 0 : i32
    %scan3A_13 = arith.constant 72 : i32
    %scan3A_14 = arith.addi %scan3A_12, %scan3A_13 : i32
    %scan3A_15 = arith.constant 1 : i32
    scf.for %scan3A_79 = %scan3A_12 to %scan3A_14 step %scan3A_15  : i32 {
      %mul3A_80 = arith.constant 7 : i32
      %mul3A_81 = arith.muli %scan3A_79, %mul3A_80 : i32
      %add3A_82 = arith.addi %mul3A_2, %mul3A_81 : i32
      %div3A = arith.constant 4 : i32
      %div3A_83 = arith.divsi %scan3A_79, %div3A : i32
      %rem3A = arith.constant 2 : i32
      %rem3A_84 = arith.remsi %div3A_83, %rem3A : i32
      %mul3A_85 = arith.constant 3584 : i32
      %mul3A_86 = arith.muli %rem3A_84, %mul3A_85 : i32
      %rem3A_87 = arith.constant 4 : i32
      %rem3A_88 = arith.remsi %scan3A_79, %rem3A_87 : i32
      %mul3A_89 = arith.constant 7 : i32
      %mul3A_90 = arith.muli %rem3A_88, %mul3A_89 : i32
      %mul3A_91 = arith.constant 128 : i32
      %mul3A_92 = arith.muli %mul3A_90, %mul3A_91 : i32
      %rem3A_93 = arith.constant 4 : i32
      %rem3A_94 = arith.remsi %scan3A_79, %rem3A_93 : i32
      %eq3A_95 = arith.constant 0 : i32
      %eq3A_96 = arith.cmpi eq, %rem3A_94, %eq3A_95 : i32
      %convert_element_type3A_97 = arith.extui %eq3A_96 : i1 to i32
      %cond3A_98 = arith.constant 0 : i32
      %cond3A_99 = arith.cmpi ne, %convert_element_type3A_97, %cond3A_98 : i32
      scf.if %cond3A_99 {
        %dma_wait3A = arith.constant 0 : i32
        %dma_wait3A_320 = tpu.memref_slice %arg5[%dma_wait3A] : memref<7168xi32, #tpu.memory_space<vmem>> -> memref<3584xi32, #tpu.memory_space<vmem>>
        %dma_wait3A_321 = arith.constant 0 : i32
        %dma_wait3A_322 = tpu.memref_slice %arg3[%dma_wait3A_321] : memref<2064384xi32, #tpu.memory_space<hbm>> -> memref<3584xi32, #tpu.memory_space<hbm>>
        %dma_wait3A_323 = arith.constant 0 : i32
        %dma_wait3A_324 = tpu.memref_slice %arg5[%dma_wait3A_323] : memref<7168xi32, #tpu.memory_space<vmem>> -> memref<3584xi32, #tpu.memory_space<vmem>>
        %dma_wait3A_325 = arith.constant 0 : i32
        %dma_wait3A_326 = tpu.memref_slice %arg3[%dma_wait3A_325] : memref<2064384xi32, #tpu.memory_space<hbm>> -> memref<3584xi32, #tpu.memory_space<hbm>>
        tpu.wait_dma2 semaphore(%arg8 : memref<!tpu.dma_semaphore, #tpu.memory_space<semaphore_mem>>) src(%dma_wait3A_326 : memref<3584xi32, #tpu.memory_space<hbm>>) dst(%dma_wait3A_324 : memref<3584xi32, #tpu.memory_space<vmem>>)
        %add3A_327 = arith.constant 4 : i32
        %add3A_328 = arith.addi %scan3A_79, %add3A_327 : i32
        %lt3A_329 = arith.constant 72 : i32
        %lt3A_330 = arith.cmpi slt, %add3A_328, %lt3A_329 : i32
        %convert_element_type3A_331 = arith.extui %lt3A_330 : i1 to i32
        %cond3A_332 = arith.constant 0 : i32
        %cond3A_333 = arith.cmpi ne, %convert_element_type3A_331, %cond3A_332 : i32
        scf.if %cond3A_333 {
          %rem3A_334 = arith.constant 2 : i32
          %rem3A_335 = arith.remsi %div3A_83, %rem3A_334 : i32
          %sub3A_336 = arith.constant 1 : i32
          %sub3A_337 = arith.subi %sub3A_336, %rem3A_335 : i32
          %mul3A_338 = arith.constant 3584 : i32
          %mul3A_339 = arith.muli %sub3A_337, %mul3A_338 : i32
          %multiple_of3A_340 = tpu.assume_multiple %mul3A_339, 128 : i32
          %add3A_341 = arith.constant 28 : i32
          %add3A_342 = arith.addi %add3A_82, %add3A_341 : i32
          %mul3A_343 = arith.constant 128 : i32
          %mul3A_344 = arith.muli %add3A_342, %mul3A_343 : i32
          %dma_start3A_345 = tpu.memref_slice %arg5[%multiple_of3A_340] : memref<7168xi32, #tpu.memory_space<vmem>> -> memref<3584xi32, #tpu.memory_space<vmem>>
          %dma_start3A_346 = tpu.memref_slice %arg3[%mul3A_344] : memref<2064384xi32, #tpu.memory_space<hbm>> -> memref<3584xi32, #tpu.memory_space<hbm>>
          %dma_start3A_347 = tpu.memref_slice %arg5[%multiple_of3A_340] : memref<7168xi32, #tpu.memory_space<vmem>> -> memref<3584xi32, #tpu.memory_space<vmem>>
          %dma_start3A_348 = tpu.memref_slice %arg3[%mul3A_344] : memref<2064384xi32, #tpu.memory_space<hbm>> -> memref<3584xi32, #tpu.memory_space<hbm>>
          tpu.enqueue_dma source(%dma_start3A_348 : memref<3584xi32, #tpu.memory_space<hbm>>) target(%dma_start3A_347 : memref<3584xi32, #tpu.memory_space<vmem>>) target_semaphore(%arg8 : memref<!tpu.dma_semaphore, #tpu.memory_space<semaphore_mem>>)
        } else {
        }
      } else {
      }
      %add3A_100 = arith.constant 0 : i32
      %add3A_101 = arith.addi %add3A_82, %add3A_100 : i32
      %add3A_102 = arith.addi %mul3A_86, %mul3A_92 : i32
      %add3A_103 = arith.constant 0 : i32
      %add3A_104 = arith.addi %add3A_102, %add3A_103 : i32
      %multiple_of3A = tpu.assume_multiple %add3A_104, 128 : i32
      %gt3A = arith.constant 0 : i32
      %gt3A_105 = arith.cmpi sgt, %scan3A_79, %gt3A : i32
      %sub3A = arith.constant 7 : i32
      %sub3A_106 = arith.subi %add3A_101, %sub3A : i32
      %lt3A_107 = arith.constant 15625 : i32
      %lt3A_108 = arith.cmpi slt, %sub3A_106, %lt3A_107 : i32
      %and3A = arith.andi %gt3A_105, %lt3A_108 : i1
      %convert_element_type3A_109 = arith.extui %and3A : i1 to i32
      %cond3A_110 = arith.constant 0 : i32
      %cond3A_111 = arith.cmpi ne, %convert_element_type3A_109, %cond3A_110 : i32
      scf.if %cond3A_111 {
        %dma_wait3A = arith.constant 0 : i32
        %dma_wait3A_320 = arith.constant 0 : i32
        %dma_wait3A_321 = arith.constant 0 : i32
        %dma_wait3A_322 = tpu.memref_slice %arg6[%dma_wait3A, %dma_wait3A_320, %dma_wait3A_321] : memref<7x128x128xf32, #tpu.memory_space<vmem>> -> memref<1x128x128xf32, #tpu.memory_space<vmem>>
        %dma_wait3A_323 = tpu.memref_squeeze %dma_wait3A_322 : memref<1x128x128xf32, #tpu.memory_space<vmem>> -> memref<128x128xf32, #tpu.memory_space<vmem>>
        %dma_wait3A_324 = arith.constant 0 : i32
        %dma_wait3A_325 = arith.constant 0 : i32
        %dma_wait3A_326 = tpu.memref_slice %arg4[%dma_wait3A_324, %dma_wait3A_325] : memref<2000000x128xf32, #tpu.memory_space<hbm>> -> memref<128x128xf32, #tpu.memory_space<hbm>>
        %dma_wait3A_327 = arith.constant 0 : i32
        %dma_wait3A_328 = arith.constant 0 : i32
        %dma_wait3A_329 = tpu.memref_slice %arg4[%dma_wait3A_327, %dma_wait3A_328] : memref<2000000x128xf32, #tpu.memory_space<hbm>> -> memref<128x128xf32, #tpu.memory_space<hbm>>
        %dma_wait3A_330 = arith.constant 0 : i32
        %dma_wait3A_331 = arith.constant 0 : i32
        %dma_wait3A_332 = tpu.memref_slice %arg6[%dma_wait3A, %dma_wait3A_330, %dma_wait3A_331] : memref<7x128x128xf32, #tpu.memory_space<vmem>> -> memref<1x128x128xf32, #tpu.memory_space<vmem>>
        %dma_wait3A_333 = tpu.memref_squeeze %dma_wait3A_332 : memref<1x128x128xf32, #tpu.memory_space<vmem>> -> memref<128x128xf32, #tpu.memory_space<vmem>>
        tpu.wait_dma2 semaphore(%arg16 : memref<!tpu.dma_semaphore, #tpu.memory_space<semaphore_mem>>) src(%dma_wait3A_333 : memref<128x128xf32, #tpu.memory_space<vmem>>) dst(%dma_wait3A_329 : memref<128x128xf32, #tpu.memory_space<hbm>>)
      } else {
      }
      %lt3A_112 = arith.constant 15625 : i32
      %lt3A_113 = arith.cmpi slt, %add3A_101, %lt3A_112 : i32
      %convert_element_type3A_114 = arith.extui %lt3A_113 : i1 to i32
      %cond3A_115 = arith.constant 0 : i32
      %cond3A_116 = arith.cmpi ne, %convert_element_type3A_114, %cond3A_115 : i32
      scf.if %cond3A_116 {
        %dma_start3A_320 = arith.constant 0 : i32
        %dma_start3A_321 = arith.constant 0 : i32
        %dma_start3A_322 = arith.constant 0 : i32
        %dma_start3A_323 = tpu.memref_slice %arg6[%dma_start3A_320, %dma_start3A_321, %dma_start3A_322] : memref<7x128x128xf32, #tpu.memory_space<vmem>> -> memref<1x128x128xf32, #tpu.memory_space<vmem>>
        %dma_start3A_324 = tpu.memref_squeeze %dma_start3A_323 : memref<1x128x128xf32, #tpu.memory_space<vmem>> -> memref<128x128xf32, #tpu.memory_space<vmem>>
        %dma_start3A_325 = tpu.memref_slice %arg5[%multiple_of3A] : memref<7168xi32, #tpu.memory_space<vmem>> -> memref<128xi32, #tpu.memory_space<vmem>>
        %dma_start3A_326 = arith.constant 0 : i32
        %dma_start3A_327 = arith.constant 0 : i32
        %dma_start3A_328 = tpu.memref_slice %arg7[%dma_start3A_326, %dma_start3A_327] : memref<128x128xf32, #tpu.memory_space<vmem_shared>> -> memref<128x128xf32, #tpu.memory_space<vmem_shared>>
        tpu.enqueue_indirect_dma source(%dma_start3A_328 : memref<128x128xf32, #tpu.memory_space<vmem_shared>>) target(%dma_start3A_324 : memref<128x128xf32, #tpu.memory_space<vmem>>) offsets(%dma_start3A_325 : memref<128xi32, #tpu.memory_space<vmem>>) semaphore(%arg9 : memref<!tpu.dma_semaphore, #tpu.memory_space<semaphore_mem>>)
      } else {
      }
      %add3A_117 = arith.constant 1 : i32
      %add3A_118 = arith.addi %add3A_82, %add3A_117 : i32
      %add3A_119 = arith.addi %mul3A_86, %mul3A_92 : i32
      %add3A_120 = arith.constant 128 : i32
      %add3A_121 = arith.addi %add3A_119, %add3A_120 : i32
      %multiple_of3A_122 = tpu.assume_multiple %add3A_121, 128 : i32
      %gt3A_123 = arith.constant 0 : i32
      %gt3A_124 = arith.cmpi sgt, %scan3A_79, %gt3A_123 : i32
      %sub3A_125 = arith.constant 7 : i32
      %sub3A_126 = arith.subi %add3A_118, %sub3A_125 : i32
      %lt3A_127 = arith.constant 15625 : i32
      %lt3A_128 = arith.cmpi slt, %sub3A_126, %lt3A_127 : i32
      %and3A_129 = arith.andi %gt3A_124, %lt3A_128 : i1
      %convert_element_type3A_130 = arith.extui %and3A_129 : i1 to i32
      %cond3A_131 = arith.constant 0 : i32
      %cond3A_132 = arith.cmpi ne, %convert_element_type3A_130, %cond3A_131 : i32
      scf.if %cond3A_132 {
        %dma_wait3A = arith.constant 1 : i32
        %dma_wait3A_320 = arith.constant 0 : i32
        %dma_wait3A_321 = arith.constant 0 : i32
        %dma_wait3A_322 = tpu.memref_slice %arg6[%dma_wait3A, %dma_wait3A_320, %dma_wait3A_321] : memref<7x128x128xf32, #tpu.memory_space<vmem>> -> memref<1x128x128xf32, #tpu.memory_space<vmem>>
        %dma_wait3A_323 = tpu.memref_squeeze %dma_wait3A_322 : memref<1x128x128xf32, #tpu.memory_space<vmem>> -> memref<128x128xf32, #tpu.memory_space<vmem>>
        %dma_wait3A_324 = arith.constant 0 : i32
        %dma_wait3A_325 = arith.constant 0 : i32
        %dma_wait3A_326 = tpu.memref_slice %arg4[%dma_wait3A_324, %dma_wait3A_325] : memref<2000000x128xf32, #tpu.memory_space<hbm>> -> memref<128x128xf32, #tpu.memory_space<hbm>>
        %dma_wait3A_327 = arith.constant 0 : i32
        %dma_wait3A_328 = arith.constant 0 : i32
        %dma_wait3A_329 = tpu.memref_slice %arg4[%dma_wait3A_327, %dma_wait3A_328] : memref<2000000x128xf32, #tpu.memory_space<hbm>> -> memref<128x128xf32, #tpu.memory_space<hbm>>
        %dma_wait3A_330 = arith.constant 0 : i32
        %dma_wait3A_331 = arith.constant 0 : i32
        %dma_wait3A_332 = tpu.memref_slice %arg6[%dma_wait3A, %dma_wait3A_330, %dma_wait3A_331] : memref<7x128x128xf32, #tpu.memory_space<vmem>> -> memref<1x128x128xf32, #tpu.memory_space<vmem>>
        %dma_wait3A_333 = tpu.memref_squeeze %dma_wait3A_332 : memref<1x128x128xf32, #tpu.memory_space<vmem>> -> memref<128x128xf32, #tpu.memory_space<vmem>>
        tpu.wait_dma2 semaphore(%arg17 : memref<!tpu.dma_semaphore, #tpu.memory_space<semaphore_mem>>) src(%dma_wait3A_333 : memref<128x128xf32, #tpu.memory_space<vmem>>) dst(%dma_wait3A_329 : memref<128x128xf32, #tpu.memory_space<hbm>>)
      } else {
      }
      %lt3A_133 = arith.constant 15625 : i32
      %lt3A_134 = arith.cmpi slt, %add3A_118, %lt3A_133 : i32
      %convert_element_type3A_135 = arith.extui %lt3A_134 : i1 to i32
      %cond3A_136 = arith.constant 0 : i32
      %cond3A_137 = arith.cmpi ne, %convert_element_type3A_135, %cond3A_136 : i32
      scf.if %cond3A_137 {
        %dma_start3A_320 = arith.constant 1 : i32
        %dma_start3A_321 = arith.constant 0 : i32
        %dma_start3A_322 = arith.constant 0 : i32
        %dma_start3A_323 = tpu.memref_slice %arg6[%dma_start3A_320, %dma_start3A_321, %dma_start3A_322] : memref<7x128x128xf32, #tpu.memory_space<vmem>> -> memref<1x128x128xf32, #tpu.memory_space<vmem>>
        %dma_start3A_324 = tpu.memref_squeeze %dma_start3A_323 : memref<1x128x128xf32, #tpu.memory_space<vmem>> -> memref<128x128xf32, #tpu.memory_space<vmem>>
        %dma_start3A_325 = tpu.memref_slice %arg5[%multiple_of3A_122] : memref<7168xi32, #tpu.memory_space<vmem>> -> memref<128xi32, #tpu.memory_space<vmem>>
        %dma_start3A_326 = arith.constant 0 : i32
        %dma_start3A_327 = arith.constant 0 : i32
        %dma_start3A_328 = tpu.memref_slice %arg7[%dma_start3A_326, %dma_start3A_327] : memref<128x128xf32, #tpu.memory_space<vmem_shared>> -> memref<128x128xf32, #tpu.memory_space<vmem_shared>>
        tpu.enqueue_indirect_dma source(%dma_start3A_328 : memref<128x128xf32, #tpu.memory_space<vmem_shared>>) target(%dma_start3A_324 : memref<128x128xf32, #tpu.memory_space<vmem>>) offsets(%dma_start3A_325 : memref<128xi32, #tpu.memory_space<vmem>>) semaphore(%arg10 : memref<!tpu.dma_semaphore, #tpu.memory_space<semaphore_mem>>)
      } else {
      }
      %add3A_138 = arith.constant 2 : i32
      %add3A_139 = arith.addi %add3A_82, %add3A_138 : i32
      %add3A_140 = arith.addi %mul3A_86, %mul3A_92 : i32
      %add3A_141 = arith.constant 256 : i32
      %add3A_142 = arith.addi %add3A_140, %add3A_141 : i32
      %multiple_of3A_143 = tpu.assume_multiple %add3A_142, 128 : i32
      %gt3A_144 = arith.constant 0 : i32
      %gt3A_145 = arith.cmpi sgt, %scan3A_79, %gt3A_144 : i32
      %sub3A_146 = arith.constant 7 : i32
      %sub3A_147 = arith.subi %add3A_139, %sub3A_146 : i32
      %lt3A_148 = arith.constant 15625 : i32
      %lt3A_149 = arith.cmpi slt, %sub3A_147, %lt3A_148 : i32
      %and3A_150 = arith.andi %gt3A_145, %lt3A_149 : i1
      %convert_element_type3A_151 = arith.extui %and3A_150 : i1 to i32
      %cond3A_152 = arith.constant 0 : i32
      %cond3A_153 = arith.cmpi ne, %convert_element_type3A_151, %cond3A_152 : i32
      scf.if %cond3A_153 {
        %dma_wait3A = arith.constant 2 : i32
        %dma_wait3A_320 = arith.constant 0 : i32
        %dma_wait3A_321 = arith.constant 0 : i32
        %dma_wait3A_322 = tpu.memref_slice %arg6[%dma_wait3A, %dma_wait3A_320, %dma_wait3A_321] : memref<7x128x128xf32, #tpu.memory_space<vmem>> -> memref<1x128x128xf32, #tpu.memory_space<vmem>>
        %dma_wait3A_323 = tpu.memref_squeeze %dma_wait3A_322 : memref<1x128x128xf32, #tpu.memory_space<vmem>> -> memref<128x128xf32, #tpu.memory_space<vmem>>
        %dma_wait3A_324 = arith.constant 0 : i32
        %dma_wait3A_325 = arith.constant 0 : i32
        %dma_wait3A_326 = tpu.memref_slice %arg4[%dma_wait3A_324, %dma_wait3A_325] : memref<2000000x128xf32, #tpu.memory_space<hbm>> -> memref<128x128xf32, #tpu.memory_space<hbm>>
        %dma_wait3A_327 = arith.constant 0 : i32
        %dma_wait3A_328 = arith.constant 0 : i32
        %dma_wait3A_329 = tpu.memref_slice %arg4[%dma_wait3A_327, %dma_wait3A_328] : memref<2000000x128xf32, #tpu.memory_space<hbm>> -> memref<128x128xf32, #tpu.memory_space<hbm>>
        %dma_wait3A_330 = arith.constant 0 : i32
        %dma_wait3A_331 = arith.constant 0 : i32
        %dma_wait3A_332 = tpu.memref_slice %arg6[%dma_wait3A, %dma_wait3A_330, %dma_wait3A_331] : memref<7x128x128xf32, #tpu.memory_space<vmem>> -> memref<1x128x128xf32, #tpu.memory_space<vmem>>
        %dma_wait3A_333 = tpu.memref_squeeze %dma_wait3A_332 : memref<1x128x128xf32, #tpu.memory_space<vmem>> -> memref<128x128xf32, #tpu.memory_space<vmem>>
        tpu.wait_dma2 semaphore(%arg18 : memref<!tpu.dma_semaphore, #tpu.memory_space<semaphore_mem>>) src(%dma_wait3A_333 : memref<128x128xf32, #tpu.memory_space<vmem>>) dst(%dma_wait3A_329 : memref<128x128xf32, #tpu.memory_space<hbm>>)
      } else {
      }
      %lt3A_154 = arith.constant 15625 : i32
      %lt3A_155 = arith.cmpi slt, %add3A_139, %lt3A_154 : i32
      %convert_element_type3A_156 = arith.extui %lt3A_155 : i1 to i32
      %cond3A_157 = arith.constant 0 : i32
      %cond3A_158 = arith.cmpi ne, %convert_element_type3A_156, %cond3A_157 : i32
      scf.if %cond3A_158 {
        %dma_start3A_320 = arith.constant 2 : i32
        %dma_start3A_321 = arith.constant 0 : i32
        %dma_start3A_322 = arith.constant 0 : i32
        %dma_start3A_323 = tpu.memref_slice %arg6[%dma_start3A_320, %dma_start3A_321, %dma_start3A_322] : memref<7x128x128xf32, #tpu.memory_space<vmem>> -> memref<1x128x128xf32, #tpu.memory_space<vmem>>
        %dma_start3A_324 = tpu.memref_squeeze %dma_start3A_323 : memref<1x128x128xf32, #tpu.memory_space<vmem>> -> memref<128x128xf32, #tpu.memory_space<vmem>>
        %dma_start3A_325 = tpu.memref_slice %arg5[%multiple_of3A_143] : memref<7168xi32, #tpu.memory_space<vmem>> -> memref<128xi32, #tpu.memory_space<vmem>>
        %dma_start3A_326 = arith.constant 0 : i32
        %dma_start3A_327 = arith.constant 0 : i32
        %dma_start3A_328 = tpu.memref_slice %arg7[%dma_start3A_326, %dma_start3A_327] : memref<128x128xf32, #tpu.memory_space<vmem_shared>> -> memref<128x128xf32, #tpu.memory_space<vmem_shared>>
        tpu.enqueue_indirect_dma source(%dma_start3A_328 : memref<128x128xf32, #tpu.memory_space<vmem_shared>>) target(%dma_start3A_324 : memref<128x128xf32, #tpu.memory_space<vmem>>) offsets(%dma_start3A_325 : memref<128xi32, #tpu.memory_space<vmem>>) semaphore(%arg11 : memref<!tpu.dma_semaphore, #tpu.memory_space<semaphore_mem>>)
      } else {
      }
      %add3A_159 = arith.constant 3 : i32
      %add3A_160 = arith.addi %add3A_82, %add3A_159 : i32
      %add3A_161 = arith.addi %mul3A_86, %mul3A_92 : i32
      %add3A_162 = arith.constant 384 : i32
      %add3A_163 = arith.addi %add3A_161, %add3A_162 : i32
      %multiple_of3A_164 = tpu.assume_multiple %add3A_163, 128 : i32
      %gt3A_165 = arith.constant 0 : i32
      %gt3A_166 = arith.cmpi sgt, %scan3A_79, %gt3A_165 : i32
      %sub3A_167 = arith.constant 7 : i32
      %sub3A_168 = arith.subi %add3A_160, %sub3A_167 : i32
      %lt3A_169 = arith.constant 15625 : i32
      %lt3A_170 = arith.cmpi slt, %sub3A_168, %lt3A_169 : i32
      %and3A_171 = arith.andi %gt3A_166, %lt3A_170 : i1
      %convert_element_type3A_172 = arith.extui %and3A_171 : i1 to i32
      %cond3A_173 = arith.constant 0 : i32
      %cond3A_174 = arith.cmpi ne, %convert_element_type3A_172, %cond3A_173 : i32
      scf.if %cond3A_174 {
        %dma_wait3A = arith.constant 3 : i32
        %dma_wait3A_320 = arith.constant 0 : i32
        %dma_wait3A_321 = arith.constant 0 : i32
        %dma_wait3A_322 = tpu.memref_slice %arg6[%dma_wait3A, %dma_wait3A_320, %dma_wait3A_321] : memref<7x128x128xf32, #tpu.memory_space<vmem>> -> memref<1x128x128xf32, #tpu.memory_space<vmem>>
        %dma_wait3A_323 = tpu.memref_squeeze %dma_wait3A_322 : memref<1x128x128xf32, #tpu.memory_space<vmem>> -> memref<128x128xf32, #tpu.memory_space<vmem>>
        %dma_wait3A_324 = arith.constant 0 : i32
        %dma_wait3A_325 = arith.constant 0 : i32
        %dma_wait3A_326 = tpu.memref_slice %arg4[%dma_wait3A_324, %dma_wait3A_325] : memref<2000000x128xf32, #tpu.memory_space<hbm>> -> memref<128x128xf32, #tpu.memory_space<hbm>>
        %dma_wait3A_327 = arith.constant 0 : i32
        %dma_wait3A_328 = arith.constant 0 : i32
        %dma_wait3A_329 = tpu.memref_slice %arg4[%dma_wait3A_327, %dma_wait3A_328] : memref<2000000x128xf32, #tpu.memory_space<hbm>> -> memref<128x128xf32, #tpu.memory_space<hbm>>
        %dma_wait3A_330 = arith.constant 0 : i32
        %dma_wait3A_331 = arith.constant 0 : i32
        %dma_wait3A_332 = tpu.memref_slice %arg6[%dma_wait3A, %dma_wait3A_330, %dma_wait3A_331] : memref<7x128x128xf32, #tpu.memory_space<vmem>> -> memref<1x128x128xf32, #tpu.memory_space<vmem>>
        %dma_wait3A_333 = tpu.memref_squeeze %dma_wait3A_332 : memref<1x128x128xf32, #tpu.memory_space<vmem>> -> memref<128x128xf32, #tpu.memory_space<vmem>>
        tpu.wait_dma2 semaphore(%arg19 : memref<!tpu.dma_semaphore, #tpu.memory_space<semaphore_mem>>) src(%dma_wait3A_333 : memref<128x128xf32, #tpu.memory_space<vmem>>) dst(%dma_wait3A_329 : memref<128x128xf32, #tpu.memory_space<hbm>>)
      } else {
      }
      %lt3A_175 = arith.constant 15625 : i32
      %lt3A_176 = arith.cmpi slt, %add3A_160, %lt3A_175 : i32
      %convert_element_type3A_177 = arith.extui %lt3A_176 : i1 to i32
      %cond3A_178 = arith.constant 0 : i32
      %cond3A_179 = arith.cmpi ne, %convert_element_type3A_177, %cond3A_178 : i32
      scf.if %cond3A_179 {
        %dma_start3A_320 = arith.constant 3 : i32
        %dma_start3A_321 = arith.constant 0 : i32
        %dma_start3A_322 = arith.constant 0 : i32
        %dma_start3A_323 = tpu.memref_slice %arg6[%dma_start3A_320, %dma_start3A_321, %dma_start3A_322] : memref<7x128x128xf32, #tpu.memory_space<vmem>> -> memref<1x128x128xf32, #tpu.memory_space<vmem>>
        %dma_start3A_324 = tpu.memref_squeeze %dma_start3A_323 : memref<1x128x128xf32, #tpu.memory_space<vmem>> -> memref<128x128xf32, #tpu.memory_space<vmem>>
        %dma_start3A_325 = tpu.memref_slice %arg5[%multiple_of3A_164] : memref<7168xi32, #tpu.memory_space<vmem>> -> memref<128xi32, #tpu.memory_space<vmem>>
        %dma_start3A_326 = arith.constant 0 : i32
        %dma_start3A_327 = arith.constant 0 : i32
        %dma_start3A_328 = tpu.memref_slice %arg7[%dma_start3A_326, %dma_start3A_327] : memref<128x128xf32, #tpu.memory_space<vmem_shared>> -> memref<128x128xf32, #tpu.memory_space<vmem_shared>>
        tpu.enqueue_indirect_dma source(%dma_start3A_328 : memref<128x128xf32, #tpu.memory_space<vmem_shared>>) target(%dma_start3A_324 : memref<128x128xf32, #tpu.memory_space<vmem>>) offsets(%dma_start3A_325 : memref<128xi32, #tpu.memory_space<vmem>>) semaphore(%arg12 : memref<!tpu.dma_semaphore, #tpu.memory_space<semaphore_mem>>)
      } else {
      }
      %add3A_180 = arith.constant 4 : i32
      %add3A_181 = arith.addi %add3A_82, %add3A_180 : i32
      %add3A_182 = arith.addi %mul3A_86, %mul3A_92 : i32
      %add3A_183 = arith.constant 512 : i32
      %add3A_184 = arith.addi %add3A_182, %add3A_183 : i32
      %multiple_of3A_185 = tpu.assume_multiple %add3A_184, 128 : i32
      %gt3A_186 = arith.constant 0 : i32
      %gt3A_187 = arith.cmpi sgt, %scan3A_79, %gt3A_186 : i32
      %sub3A_188 = arith.constant 7 : i32
      %sub3A_189 = arith.subi %add3A_181, %sub3A_188 : i32
      %lt3A_190 = arith.constant 15625 : i32
      %lt3A_191 = arith.cmpi slt, %sub3A_189, %lt3A_190 : i32
      %and3A_192 = arith.andi %gt3A_187, %lt3A_191 : i1
      %convert_element_type3A_193 = arith.extui %and3A_192 : i1 to i32
      %cond3A_194 = arith.constant 0 : i32
      %cond3A_195 = arith.cmpi ne, %convert_element_type3A_193, %cond3A_194 : i32
      scf.if %cond3A_195 {
        %dma_wait3A = arith.constant 4 : i32
        %dma_wait3A_320 = arith.constant 0 : i32
        %dma_wait3A_321 = arith.constant 0 : i32
        %dma_wait3A_322 = tpu.memref_slice %arg6[%dma_wait3A, %dma_wait3A_320, %dma_wait3A_321] : memref<7x128x128xf32, #tpu.memory_space<vmem>> -> memref<1x128x128xf32, #tpu.memory_space<vmem>>
        %dma_wait3A_323 = tpu.memref_squeeze %dma_wait3A_322 : memref<1x128x128xf32, #tpu.memory_space<vmem>> -> memref<128x128xf32, #tpu.memory_space<vmem>>
        %dma_wait3A_324 = arith.constant 0 : i32
        %dma_wait3A_325 = arith.constant 0 : i32
        %dma_wait3A_326 = tpu.memref_slice %arg4[%dma_wait3A_324, %dma_wait3A_325] : memref<2000000x128xf32, #tpu.memory_space<hbm>> -> memref<128x128xf32, #tpu.memory_space<hbm>>
        %dma_wait3A_327 = arith.constant 0 : i32
        %dma_wait3A_328 = arith.constant 0 : i32
        %dma_wait3A_329 = tpu.memref_slice %arg4[%dma_wait3A_327, %dma_wait3A_328] : memref<2000000x128xf32, #tpu.memory_space<hbm>> -> memref<128x128xf32, #tpu.memory_space<hbm>>
        %dma_wait3A_330 = arith.constant 0 : i32
        %dma_wait3A_331 = arith.constant 0 : i32
        %dma_wait3A_332 = tpu.memref_slice %arg6[%dma_wait3A, %dma_wait3A_330, %dma_wait3A_331] : memref<7x128x128xf32, #tpu.memory_space<vmem>> -> memref<1x128x128xf32, #tpu.memory_space<vmem>>
        %dma_wait3A_333 = tpu.memref_squeeze %dma_wait3A_332 : memref<1x128x128xf32, #tpu.memory_space<vmem>> -> memref<128x128xf32, #tpu.memory_space<vmem>>
        tpu.wait_dma2 semaphore(%arg20 : memref<!tpu.dma_semaphore, #tpu.memory_space<semaphore_mem>>) src(%dma_wait3A_333 : memref<128x128xf32, #tpu.memory_space<vmem>>) dst(%dma_wait3A_329 : memref<128x128xf32, #tpu.memory_space<hbm>>)
      } else {
      }
      %lt3A_196 = arith.constant 15625 : i32
      %lt3A_197 = arith.cmpi slt, %add3A_181, %lt3A_196 : i32
      %convert_element_type3A_198 = arith.extui %lt3A_197 : i1 to i32
      %cond3A_199 = arith.constant 0 : i32
      %cond3A_200 = arith.cmpi ne, %convert_element_type3A_198, %cond3A_199 : i32
      scf.if %cond3A_200 {
        %dma_start3A_320 = arith.constant 4 : i32
        %dma_start3A_321 = arith.constant 0 : i32
        %dma_start3A_322 = arith.constant 0 : i32
        %dma_start3A_323 = tpu.memref_slice %arg6[%dma_start3A_320, %dma_start3A_321, %dma_start3A_322] : memref<7x128x128xf32, #tpu.memory_space<vmem>> -> memref<1x128x128xf32, #tpu.memory_space<vmem>>
        %dma_start3A_324 = tpu.memref_squeeze %dma_start3A_323 : memref<1x128x128xf32, #tpu.memory_space<vmem>> -> memref<128x128xf32, #tpu.memory_space<vmem>>
        %dma_start3A_325 = tpu.memref_slice %arg5[%multiple_of3A_185] : memref<7168xi32, #tpu.memory_space<vmem>> -> memref<128xi32, #tpu.memory_space<vmem>>
        %dma_start3A_326 = arith.constant 0 : i32
        %dma_start3A_327 = arith.constant 0 : i32
        %dma_start3A_328 = tpu.memref_slice %arg7[%dma_start3A_326, %dma_start3A_327] : memref<128x128xf32, #tpu.memory_space<vmem_shared>> -> memref<128x128xf32, #tpu.memory_space<vmem_shared>>
        tpu.enqueue_indirect_dma source(%dma_start3A_328 : memref<128x128xf32, #tpu.memory_space<vmem_shared>>) target(%dma_start3A_324 : memref<128x128xf32, #tpu.memory_space<vmem>>) offsets(%dma_start3A_325 : memref<128xi32, #tpu.memory_space<vmem>>) semaphore(%arg13 : memref<!tpu.dma_semaphore, #tpu.memory_space<semaphore_mem>>)
      } else {
      }
      %add3A_201 = arith.constant 5 : i32
      %add3A_202 = arith.addi %add3A_82, %add3A_201 : i32
      %add3A_203 = arith.addi %mul3A_86, %mul3A_92 : i32
      %add3A_204 = arith.constant 640 : i32
      %add3A_205 = arith.addi %add3A_203, %add3A_204 : i32
      %multiple_of3A_206 = tpu.assume_multiple %add3A_205, 128 : i32
      %gt3A_207 = arith.constant 0 : i32
      %gt3A_208 = arith.cmpi sgt, %scan3A_79, %gt3A_207 : i32
      %sub3A_209 = arith.constant 7 : i32
      %sub3A_210 = arith.subi %add3A_202, %sub3A_209 : i32
      %lt3A_211 = arith.constant 15625 : i32
      %lt3A_212 = arith.cmpi slt, %sub3A_210, %lt3A_211 : i32
      %and3A_213 = arith.andi %gt3A_208, %lt3A_212 : i1
      %convert_element_type3A_214 = arith.extui %and3A_213 : i1 to i32
      %cond3A_215 = arith.constant 0 : i32
      %cond3A_216 = arith.cmpi ne, %convert_element_type3A_214, %cond3A_215 : i32
      scf.if %cond3A_216 {
        %dma_wait3A = arith.constant 5 : i32
        %dma_wait3A_320 = arith.constant 0 : i32
        %dma_wait3A_321 = arith.constant 0 : i32
        %dma_wait3A_322 = tpu.memref_slice %arg6[%dma_wait3A, %dma_wait3A_320, %dma_wait3A_321] : memref<7x128x128xf32, #tpu.memory_space<vmem>> -> memref<1x128x128xf32, #tpu.memory_space<vmem>>
        %dma_wait3A_323 = tpu.memref_squeeze %dma_wait3A_322 : memref<1x128x128xf32, #tpu.memory_space<vmem>> -> memref<128x128xf32, #tpu.memory_space<vmem>>
        %dma_wait3A_324 = arith.constant 0 : i32
        %dma_wait3A_325 = arith.constant 0 : i32
        %dma_wait3A_326 = tpu.memref_slice %arg4[%dma_wait3A_324, %dma_wait3A_325] : memref<2000000x128xf32, #tpu.memory_space<hbm>> -> memref<128x128xf32, #tpu.memory_space<hbm>>
        %dma_wait3A_327 = arith.constant 0 : i32
        %dma_wait3A_328 = arith.constant 0 : i32
        %dma_wait3A_329 = tpu.memref_slice %arg4[%dma_wait3A_327, %dma_wait3A_328] : memref<2000000x128xf32, #tpu.memory_space<hbm>> -> memref<128x128xf32, #tpu.memory_space<hbm>>
        %dma_wait3A_330 = arith.constant 0 : i32
        %dma_wait3A_331 = arith.constant 0 : i32
        %dma_wait3A_332 = tpu.memref_slice %arg6[%dma_wait3A, %dma_wait3A_330, %dma_wait3A_331] : memref<7x128x128xf32, #tpu.memory_space<vmem>> -> memref<1x128x128xf32, #tpu.memory_space<vmem>>
        %dma_wait3A_333 = tpu.memref_squeeze %dma_wait3A_332 : memref<1x128x128xf32, #tpu.memory_space<vmem>> -> memref<128x128xf32, #tpu.memory_space<vmem>>
        tpu.wait_dma2 semaphore(%arg21 : memref<!tpu.dma_semaphore, #tpu.memory_space<semaphore_mem>>) src(%dma_wait3A_333 : memref<128x128xf32, #tpu.memory_space<vmem>>) dst(%dma_wait3A_329 : memref<128x128xf32, #tpu.memory_space<hbm>>)
      } else {
      }
      %lt3A_217 = arith.constant 15625 : i32
      %lt3A_218 = arith.cmpi slt, %add3A_202, %lt3A_217 : i32
      %convert_element_type3A_219 = arith.extui %lt3A_218 : i1 to i32
      %cond3A_220 = arith.constant 0 : i32
      %cond3A_221 = arith.cmpi ne, %convert_element_type3A_219, %cond3A_220 : i32
      scf.if %cond3A_221 {
        %dma_start3A_320 = arith.constant 5 : i32
        %dma_start3A_321 = arith.constant 0 : i32
        %dma_start3A_322 = arith.constant 0 : i32
        %dma_start3A_323 = tpu.memref_slice %arg6[%dma_start3A_320, %dma_start3A_321, %dma_start3A_322] : memref<7x128x128xf32, #tpu.memory_space<vmem>> -> memref<1x128x128xf32, #tpu.memory_space<vmem>>
        %dma_start3A_324 = tpu.memref_squeeze %dma_start3A_323 : memref<1x128x128xf32, #tpu.memory_space<vmem>> -> memref<128x128xf32, #tpu.memory_space<vmem>>
        %dma_start3A_325 = tpu.memref_slice %arg5[%multiple_of3A_206] : memref<7168xi32, #tpu.memory_space<vmem>> -> memref<128xi32, #tpu.memory_space<vmem>>
        %dma_start3A_326 = arith.constant 0 : i32
        %dma_start3A_327 = arith.constant 0 : i32
        %dma_start3A_328 = tpu.memref_slice %arg7[%dma_start3A_326, %dma_start3A_327] : memref<128x128xf32, #tpu.memory_space<vmem_shared>> -> memref<128x128xf32, #tpu.memory_space<vmem_shared>>
        tpu.enqueue_indirect_dma source(%dma_start3A_328 : memref<128x128xf32, #tpu.memory_space<vmem_shared>>) target(%dma_start3A_324 : memref<128x128xf32, #tpu.memory_space<vmem>>) offsets(%dma_start3A_325 : memref<128xi32, #tpu.memory_space<vmem>>) semaphore(%arg14 : memref<!tpu.dma_semaphore, #tpu.memory_space<semaphore_mem>>)
      } else {
      }
      %add3A_222 = arith.constant 6 : i32
      %add3A_223 = arith.addi %add3A_82, %add3A_222 : i32
      %add3A_224 = arith.addi %mul3A_86, %mul3A_92 : i32
      %add3A_225 = arith.constant 768 : i32
      %add3A_226 = arith.addi %add3A_224, %add3A_225 : i32
      %multiple_of3A_227 = tpu.assume_multiple %add3A_226, 128 : i32
      %gt3A_228 = arith.constant 0 : i32
      %gt3A_229 = arith.cmpi sgt, %scan3A_79, %gt3A_228 : i32
      %sub3A_230 = arith.constant 7 : i32
      %sub3A_231 = arith.subi %add3A_223, %sub3A_230 : i32
      %lt3A_232 = arith.constant 15625 : i32
      %lt3A_233 = arith.cmpi slt, %sub3A_231, %lt3A_232 : i32
      %and3A_234 = arith.andi %gt3A_229, %lt3A_233 : i1
      %convert_element_type3A_235 = arith.extui %and3A_234 : i1 to i32
      %cond3A_236 = arith.constant 0 : i32
      %cond3A_237 = arith.cmpi ne, %convert_element_type3A_235, %cond3A_236 : i32
      scf.if %cond3A_237 {
        %dma_wait3A = arith.constant 6 : i32
        %dma_wait3A_320 = arith.constant 0 : i32
        %dma_wait3A_321 = arith.constant 0 : i32
        %dma_wait3A_322 = tpu.memref_slice %arg6[%dma_wait3A, %dma_wait3A_320, %dma_wait3A_321] : memref<7x128x128xf32, #tpu.memory_space<vmem>> -> memref<1x128x128xf32, #tpu.memory_space<vmem>>
        %dma_wait3A_323 = tpu.memref_squeeze %dma_wait3A_322 : memref<1x128x128xf32, #tpu.memory_space<vmem>> -> memref<128x128xf32, #tpu.memory_space<vmem>>
        %dma_wait3A_324 = arith.constant 0 : i32
        %dma_wait3A_325 = arith.constant 0 : i32
        %dma_wait3A_326 = tpu.memref_slice %arg4[%dma_wait3A_324, %dma_wait3A_325] : memref<2000000x128xf32, #tpu.memory_space<hbm>> -> memref<128x128xf32, #tpu.memory_space<hbm>>
        %dma_wait3A_327 = arith.constant 0 : i32
        %dma_wait3A_328 = arith.constant 0 : i32
        %dma_wait3A_329 = tpu.memref_slice %arg4[%dma_wait3A_327, %dma_wait3A_328] : memref<2000000x128xf32, #tpu.memory_space<hbm>> -> memref<128x128xf32, #tpu.memory_space<hbm>>
        %dma_wait3A_330 = arith.constant 0 : i32
        %dma_wait3A_331 = arith.constant 0 : i32
        %dma_wait3A_332 = tpu.memref_slice %arg6[%dma_wait3A, %dma_wait3A_330, %dma_wait3A_331] : memref<7x128x128xf32, #tpu.memory_space<vmem>> -> memref<1x128x128xf32, #tpu.memory_space<vmem>>
        %dma_wait3A_333 = tpu.memref_squeeze %dma_wait3A_332 : memref<1x128x128xf32, #tpu.memory_space<vmem>> -> memref<128x128xf32, #tpu.memory_space<vmem>>
        tpu.wait_dma2 semaphore(%arg22 : memref<!tpu.dma_semaphore, #tpu.memory_space<semaphore_mem>>) src(%dma_wait3A_333 : memref<128x128xf32, #tpu.memory_space<vmem>>) dst(%dma_wait3A_329 : memref<128x128xf32, #tpu.memory_space<hbm>>)
      } else {
      }
      %lt3A_238 = arith.constant 15625 : i32
      %lt3A_239 = arith.cmpi slt, %add3A_223, %lt3A_238 : i32
      %convert_element_type3A_240 = arith.extui %lt3A_239 : i1 to i32
      %cond3A_241 = arith.constant 0 : i32
      %cond3A_242 = arith.cmpi ne, %convert_element_type3A_240, %cond3A_241 : i32
      scf.if %cond3A_242 {
        %dma_start3A_320 = arith.constant 6 : i32
        %dma_start3A_321 = arith.constant 0 : i32
        %dma_start3A_322 = arith.constant 0 : i32
        %dma_start3A_323 = tpu.memref_slice %arg6[%dma_start3A_320, %dma_start3A_321, %dma_start3A_322] : memref<7x128x128xf32, #tpu.memory_space<vmem>> -> memref<1x128x128xf32, #tpu.memory_space<vmem>>
        %dma_start3A_324 = tpu.memref_squeeze %dma_start3A_323 : memref<1x128x128xf32, #tpu.memory_space<vmem>> -> memref<128x128xf32, #tpu.memory_space<vmem>>
        %dma_start3A_325 = tpu.memref_slice %arg5[%multiple_of3A_227] : memref<7168xi32, #tpu.memory_space<vmem>> -> memref<128xi32, #tpu.memory_space<vmem>>
        %dma_start3A_326 = arith.constant 0 : i32
        %dma_start3A_327 = arith.constant 0 : i32
        %dma_start3A_328 = tpu.memref_slice %arg7[%dma_start3A_326, %dma_start3A_327] : memref<128x128xf32, #tpu.memory_space<vmem_shared>> -> memref<128x128xf32, #tpu.memory_space<vmem_shared>>
        tpu.enqueue_indirect_dma source(%dma_start3A_328 : memref<128x128xf32, #tpu.memory_space<vmem_shared>>) target(%dma_start3A_324 : memref<128x128xf32, #tpu.memory_space<vmem>>) offsets(%dma_start3A_325 : memref<128xi32, #tpu.memory_space<vmem>>) semaphore(%arg15 : memref<!tpu.dma_semaphore, #tpu.memory_space<semaphore_mem>>)
      } else {
      }
      %add3A_243 = arith.constant 0 : i32
      %add3A_244 = arith.addi %add3A_82, %add3A_243 : i32
      %add3A_245 = arith.addi %mul3A_86, %mul3A_92 : i32
      %add3A_246 = arith.constant 0 : i32
      %add3A_247 = arith.addi %add3A_245, %add3A_246 : i32
      %multiple_of3A_248 = tpu.assume_multiple %add3A_247, 128 : i32
      %lt3A_249 = arith.constant 15625 : i32
      %lt3A_250 = arith.cmpi slt, %add3A_244, %lt3A_249 : i32
      %convert_element_type3A_251 = arith.extui %lt3A_250 : i1 to i32
      %cond3A_252 = arith.constant 0 : i32
      %cond3A_253 = arith.cmpi ne, %convert_element_type3A_251, %cond3A_252 : i32
      scf.if %cond3A_253 {
        %dma_wait3A = arith.constant 0 : i32
        %dma_wait3A_320 = arith.constant 0 : i32
        %dma_wait3A_321 = arith.constant 0 : i32
        %dma_wait3A_322 = tpu.memref_slice %arg6[%dma_wait3A, %dma_wait3A_320, %dma_wait3A_321] : memref<7x128x128xf32, #tpu.memory_space<vmem>> -> memref<1x128x128xf32, #tpu.memory_space<vmem>>
        %dma_wait3A_323 = tpu.memref_squeeze %dma_wait3A_322 : memref<1x128x128xf32, #tpu.memory_space<vmem>> -> memref<128x128xf32, #tpu.memory_space<vmem>>
        %dma_wait3A_324 = tpu.memref_slice %arg5[%multiple_of3A_248] : memref<7168xi32, #tpu.memory_space<vmem>> -> memref<128xi32, #tpu.memory_space<vmem>>
        %dma_wait3A_325 = arith.constant 0 : i32
        %dma_wait3A_326 = arith.constant 0 : i32
        %dma_wait3A_327 = tpu.memref_slice %arg7[%dma_wait3A_325, %dma_wait3A_326] : memref<128x128xf32, #tpu.memory_space<vmem_shared>> -> memref<128x128xf32, #tpu.memory_space<vmem_shared>>
        tpu.wait_indirect_dma semaphore(%arg9 : memref<!tpu.dma_semaphore, #tpu.memory_space<semaphore_mem>>) src(%dma_wait3A_327 : memref<128x128xf32, #tpu.memory_space<vmem_shared>>) dst(%dma_wait3A_323 : memref<128x128xf32, #tpu.memory_space<vmem>>)
        %mul3A_328 = arith.constant 128 : i32
        %mul3A_329 = arith.muli %add3A_244, %mul3A_328 : i32
        %dma_start3A_330 = arith.constant 0 : i32
        %dma_start3A_331 = arith.constant 0 : i32
        %dma_start3A_332 = arith.constant 0 : i32
        %dma_start3A_333 = tpu.memref_slice %arg6[%dma_start3A_330, %dma_start3A_331, %dma_start3A_332] : memref<7x128x128xf32, #tpu.memory_space<vmem>> -> memref<1x128x128xf32, #tpu.memory_space<vmem>>
        %dma_start3A_334 = tpu.memref_squeeze %dma_start3A_333 : memref<1x128x128xf32, #tpu.memory_space<vmem>> -> memref<128x128xf32, #tpu.memory_space<vmem>>
        %dma_start3A_335 = arith.constant 0 : i32
        %dma_start3A_336 = tpu.memref_slice %arg4[%mul3A_329, %dma_start3A_335] : memref<2000000x128xf32, #tpu.memory_space<hbm>> -> memref<128x128xf32, #tpu.memory_space<hbm>>
        %dma_start3A_337 = arith.constant 0 : i32
        %dma_start3A_338 = tpu.memref_slice %arg4[%mul3A_329, %dma_start3A_337] : memref<2000000x128xf32, #tpu.memory_space<hbm>> -> memref<128x128xf32, #tpu.memory_space<hbm>>
        %dma_start3A_339 = arith.constant 0 : i32
        %dma_start3A_340 = arith.constant 0 : i32
        %dma_start3A_341 = tpu.memref_slice %arg6[%dma_start3A_330, %dma_start3A_339, %dma_start3A_340] : memref<7x128x128xf32, #tpu.memory_space<vmem>> -> memref<1x128x128xf32, #tpu.memory_space<vmem>>
        %dma_start3A_342 = tpu.memref_squeeze %dma_start3A_341 : memref<1x128x128xf32, #tpu.memory_space<vmem>> -> memref<128x128xf32, #tpu.memory_space<vmem>>
        tpu.enqueue_dma source(%dma_start3A_342 : memref<128x128xf32, #tpu.memory_space<vmem>>) target(%dma_start3A_338 : memref<128x128xf32, #tpu.memory_space<hbm>>) target_semaphore(%arg16 : memref<!tpu.dma_semaphore, #tpu.memory_space<semaphore_mem>>)
      } else {
      }
      %add3A_254 = arith.constant 1 : i32
      %add3A_255 = arith.addi %add3A_82, %add3A_254 : i32
      %add3A_256 = arith.addi %mul3A_86, %mul3A_92 : i32
      %add3A_257 = arith.constant 128 : i32
      %add3A_258 = arith.addi %add3A_256, %add3A_257 : i32
      %multiple_of3A_259 = tpu.assume_multiple %add3A_258, 128 : i32
      %lt3A_260 = arith.constant 15625 : i32
      %lt3A_261 = arith.cmpi slt, %add3A_255, %lt3A_260 : i32
      %convert_element_type3A_262 = arith.extui %lt3A_261 : i1 to i32
      %cond3A_263 = arith.constant 0 : i32
      %cond3A_264 = arith.cmpi ne, %convert_element_type3A_262, %cond3A_263 : i32
      scf.if %cond3A_264 {
        %dma_wait3A = arith.constant 1 : i32
        %dma_wait3A_320 = arith.constant 0 : i32
        %dma_wait3A_321 = arith.constant 0 : i32
        %dma_wait3A_322 = tpu.memref_slice %arg6[%dma_wait3A, %dma_wait3A_320, %dma_wait3A_321] : memref<7x128x128xf32, #tpu.memory_space<vmem>> -> memref<1x128x128xf32, #tpu.memory_space<vmem>>
        %dma_wait3A_323 = tpu.memref_squeeze %dma_wait3A_322 : memref<1x128x128xf32, #tpu.memory_space<vmem>> -> memref<128x128xf32, #tpu.memory_space<vmem>>
        %dma_wait3A_324 = tpu.memref_slice %arg5[%multiple_of3A_259] : memref<7168xi32, #tpu.memory_space<vmem>> -> memref<128xi32, #tpu.memory_space<vmem>>
        %dma_wait3A_325 = arith.constant 0 : i32
        %dma_wait3A_326 = arith.constant 0 : i32
        %dma_wait3A_327 = tpu.memref_slice %arg7[%dma_wait3A_325, %dma_wait3A_326] : memref<128x128xf32, #tpu.memory_space<vmem_shared>> -> memref<128x128xf32, #tpu.memory_space<vmem_shared>>
        tpu.wait_indirect_dma semaphore(%arg10 : memref<!tpu.dma_semaphore, #tpu.memory_space<semaphore_mem>>) src(%dma_wait3A_327 : memref<128x128xf32, #tpu.memory_space<vmem_shared>>) dst(%dma_wait3A_323 : memref<128x128xf32, #tpu.memory_space<vmem>>)
        %mul3A_328 = arith.constant 128 : i32
        %mul3A_329 = arith.muli %add3A_255, %mul3A_328 : i32
        %dma_start3A_330 = arith.constant 1 : i32
        %dma_start3A_331 = arith.constant 0 : i32
        %dma_start3A_332 = arith.constant 0 : i32
        %dma_start3A_333 = tpu.memref_slice %arg6[%dma_start3A_330, %dma_start3A_331, %dma_start3A_332] : memref<7x128x128xf32, #tpu.memory_space<vmem>> -> memref<1x128x128xf32, #tpu.memory_space<vmem>>
        %dma_start3A_334 = tpu.memref_squeeze %dma_start3A_333 : memref<1x128x128xf32, #tpu.memory_space<vmem>> -> memref<128x128xf32, #tpu.memory_space<vmem>>
        %dma_start3A_335 = arith.constant 0 : i32
        %dma_start3A_336 = tpu.memref_slice %arg4[%mul3A_329, %dma_start3A_335] : memref<2000000x128xf32, #tpu.memory_space<hbm>> -> memref<128x128xf32, #tpu.memory_space<hbm>>
        %dma_start3A_337 = arith.constant 0 : i32
        %dma_start3A_338 = tpu.memref_slice %arg4[%mul3A_329, %dma_start3A_337] : memref<2000000x128xf32, #tpu.memory_space<hbm>> -> memref<128x128xf32, #tpu.memory_space<hbm>>
        %dma_start3A_339 = arith.constant 0 : i32
        %dma_start3A_340 = arith.constant 0 : i32
        %dma_start3A_341 = tpu.memref_slice %arg6[%dma_start3A_330, %dma_start3A_339, %dma_start3A_340] : memref<7x128x128xf32, #tpu.memory_space<vmem>> -> memref<1x128x128xf32, #tpu.memory_space<vmem>>
        %dma_start3A_342 = tpu.memref_squeeze %dma_start3A_341 : memref<1x128x128xf32, #tpu.memory_space<vmem>> -> memref<128x128xf32, #tpu.memory_space<vmem>>
        tpu.enqueue_dma source(%dma_start3A_342 : memref<128x128xf32, #tpu.memory_space<vmem>>) target(%dma_start3A_338 : memref<128x128xf32, #tpu.memory_space<hbm>>) target_semaphore(%arg17 : memref<!tpu.dma_semaphore, #tpu.memory_space<semaphore_mem>>)
      } else {
      }
      %add3A_265 = arith.constant 2 : i32
      %add3A_266 = arith.addi %add3A_82, %add3A_265 : i32
      %add3A_267 = arith.addi %mul3A_86, %mul3A_92 : i32
      %add3A_268 = arith.constant 256 : i32
      %add3A_269 = arith.addi %add3A_267, %add3A_268 : i32
      %multiple_of3A_270 = tpu.assume_multiple %add3A_269, 128 : i32
      %lt3A_271 = arith.constant 15625 : i32
      %lt3A_272 = arith.cmpi slt, %add3A_266, %lt3A_271 : i32
      %convert_element_type3A_273 = arith.extui %lt3A_272 : i1 to i32
      %cond3A_274 = arith.constant 0 : i32
      %cond3A_275 = arith.cmpi ne, %convert_element_type3A_273, %cond3A_274 : i32
      scf.if %cond3A_275 {
        %dma_wait3A = arith.constant 2 : i32
        %dma_wait3A_320 = arith.constant 0 : i32
        %dma_wait3A_321 = arith.constant 0 : i32
        %dma_wait3A_322 = tpu.memref_slice %arg6[%dma_wait3A, %dma_wait3A_320, %dma_wait3A_321] : memref<7x128x128xf32, #tpu.memory_space<vmem>> -> memref<1x128x128xf32, #tpu.memory_space<vmem>>
        %dma_wait3A_323 = tpu.memref_squeeze %dma_wait3A_322 : memref<1x128x128xf32, #tpu.memory_space<vmem>> -> memref<128x128xf32, #tpu.memory_space<vmem>>
        %dma_wait3A_324 = tpu.memref_slice %arg5[%multiple_of3A_270] : memref<7168xi32, #tpu.memory_space<vmem>> -> memref<128xi32, #tpu.memory_space<vmem>>
        %dma_wait3A_325 = arith.constant 0 : i32
        %dma_wait3A_326 = arith.constant 0 : i32
        %dma_wait3A_327 = tpu.memref_slice %arg7[%dma_wait3A_325, %dma_wait3A_326] : memref<128x128xf32, #tpu.memory_space<vmem_shared>> -> memref<128x128xf32, #tpu.memory_space<vmem_shared>>
        tpu.wait_indirect_dma semaphore(%arg11 : memref<!tpu.dma_semaphore, #tpu.memory_space<semaphore_mem>>) src(%dma_wait3A_327 : memref<128x128xf32, #tpu.memory_space<vmem_shared>>) dst(%dma_wait3A_323 : memref<128x128xf32, #tpu.memory_space<vmem>>)
        %mul3A_328 = arith.constant 128 : i32
        %mul3A_329 = arith.muli %add3A_266, %mul3A_328 : i32
        %dma_start3A_330 = arith.constant 2 : i32
        %dma_start3A_331 = arith.constant 0 : i32
        %dma_start3A_332 = arith.constant 0 : i32
        %dma_start3A_333 = tpu.memref_slice %arg6[%dma_start3A_330, %dma_start3A_331, %dma_start3A_332] : memref<7x128x128xf32, #tpu.memory_space<vmem>> -> memref<1x128x128xf32, #tpu.memory_space<vmem>>
        %dma_start3A_334 = tpu.memref_squeeze %dma_start3A_333 : memref<1x128x128xf32, #tpu.memory_space<vmem>> -> memref<128x128xf32, #tpu.memory_space<vmem>>
        %dma_start3A_335 = arith.constant 0 : i32
        %dma_start3A_336 = tpu.memref_slice %arg4[%mul3A_329, %dma_start3A_335] : memref<2000000x128xf32, #tpu.memory_space<hbm>> -> memref<128x128xf32, #tpu.memory_space<hbm>>
        %dma_start3A_337 = arith.constant 0 : i32
        %dma_start3A_338 = tpu.memref_slice %arg4[%mul3A_329, %dma_start3A_337] : memref<2000000x128xf32, #tpu.memory_space<hbm>> -> memref<128x128xf32, #tpu.memory_space<hbm>>
        %dma_start3A_339 = arith.constant 0 : i32
        %dma_start3A_340 = arith.constant 0 : i32
        %dma_start3A_341 = tpu.memref_slice %arg6[%dma_start3A_330, %dma_start3A_339, %dma_start3A_340] : memref<7x128x128xf32, #tpu.memory_space<vmem>> -> memref<1x128x128xf32, #tpu.memory_space<vmem>>
        %dma_start3A_342 = tpu.memref_squeeze %dma_start3A_341 : memref<1x128x128xf32, #tpu.memory_space<vmem>> -> memref<128x128xf32, #tpu.memory_space<vmem>>
        tpu.enqueue_dma source(%dma_start3A_342 : memref<128x128xf32, #tpu.memory_space<vmem>>) target(%dma_start3A_338 : memref<128x128xf32, #tpu.memory_space<hbm>>) target_semaphore(%arg18 : memref<!tpu.dma_semaphore, #tpu.memory_space<semaphore_mem>>)
      } else {
      }
      %add3A_276 = arith.constant 3 : i32
      %add3A_277 = arith.addi %add3A_82, %add3A_276 : i32
      %add3A_278 = arith.addi %mul3A_86, %mul3A_92 : i32
      %add3A_279 = arith.constant 384 : i32
      %add3A_280 = arith.addi %add3A_278, %add3A_279 : i32
      %multiple_of3A_281 = tpu.assume_multiple %add3A_280, 128 : i32
      %lt3A_282 = arith.constant 15625 : i32
      %lt3A_283 = arith.cmpi slt, %add3A_277, %lt3A_282 : i32
      %convert_element_type3A_284 = arith.extui %lt3A_283 : i1 to i32
      %cond3A_285 = arith.constant 0 : i32
      %cond3A_286 = arith.cmpi ne, %convert_element_type3A_284, %cond3A_285 : i32
      scf.if %cond3A_286 {
        %dma_wait3A = arith.constant 3 : i32
        %dma_wait3A_320 = arith.constant 0 : i32
        %dma_wait3A_321 = arith.constant 0 : i32
        %dma_wait3A_322 = tpu.memref_slice %arg6[%dma_wait3A, %dma_wait3A_320, %dma_wait3A_321] : memref<7x128x128xf32, #tpu.memory_space<vmem>> -> memref<1x128x128xf32, #tpu.memory_space<vmem>>
        %dma_wait3A_323 = tpu.memref_squeeze %dma_wait3A_322 : memref<1x128x128xf32, #tpu.memory_space<vmem>> -> memref<128x128xf32, #tpu.memory_space<vmem>>
        %dma_wait3A_324 = tpu.memref_slice %arg5[%multiple_of3A_281] : memref<7168xi32, #tpu.memory_space<vmem>> -> memref<128xi32, #tpu.memory_space<vmem>>
        %dma_wait3A_325 = arith.constant 0 : i32
        %dma_wait3A_326 = arith.constant 0 : i32
        %dma_wait3A_327 = tpu.memref_slice %arg7[%dma_wait3A_325, %dma_wait3A_326] : memref<128x128xf32, #tpu.memory_space<vmem_shared>> -> memref<128x128xf32, #tpu.memory_space<vmem_shared>>
        tpu.wait_indirect_dma semaphore(%arg12 : memref<!tpu.dma_semaphore, #tpu.memory_space<semaphore_mem>>) src(%dma_wait3A_327 : memref<128x128xf32, #tpu.memory_space<vmem_shared>>) dst(%dma_wait3A_323 : memref<128x128xf32, #tpu.memory_space<vmem>>)
        %mul3A_328 = arith.constant 128 : i32
        %mul3A_329 = arith.muli %add3A_277, %mul3A_328 : i32
        %dma_start3A_330 = arith.constant 3 : i32
        %dma_start3A_331 = arith.constant 0 : i32
        %dma_start3A_332 = arith.constant 0 : i32
        %dma_start3A_333 = tpu.memref_slice %arg6[%dma_start3A_330, %dma_start3A_331, %dma_start3A_332] : memref<7x128x128xf32, #tpu.memory_space<vmem>> -> memref<1x128x128xf32, #tpu.memory_space<vmem>>
        %dma_start3A_334 = tpu.memref_squeeze %dma_start3A_333 : memref<1x128x128xf32, #tpu.memory_space<vmem>> -> memref<128x128xf32, #tpu.memory_space<vmem>>
        %dma_start3A_335 = arith.constant 0 : i32
        %dma_start3A_336 = tpu.memref_slice %arg4[%mul3A_329, %dma_start3A_335] : memref<2000000x128xf32, #tpu.memory_space<hbm>> -> memref<128x128xf32, #tpu.memory_space<hbm>>
        %dma_start3A_337 = arith.constant 0 : i32
        %dma_start3A_338 = tpu.memref_slice %arg4[%mul3A_329, %dma_start3A_337] : memref<2000000x128xf32, #tpu.memory_space<hbm>> -> memref<128x128xf32, #tpu.memory_space<hbm>>
        %dma_start3A_339 = arith.constant 0 : i32
        %dma_start3A_340 = arith.constant 0 : i32
        %dma_start3A_341 = tpu.memref_slice %arg6[%dma_start3A_330, %dma_start3A_339, %dma_start3A_340] : memref<7x128x128xf32, #tpu.memory_space<vmem>> -> memref<1x128x128xf32, #tpu.memory_space<vmem>>
        %dma_start3A_342 = tpu.memref_squeeze %dma_start3A_341 : memref<1x128x128xf32, #tpu.memory_space<vmem>> -> memref<128x128xf32, #tpu.memory_space<vmem>>
        tpu.enqueue_dma source(%dma_start3A_342 : memref<128x128xf32, #tpu.memory_space<vmem>>) target(%dma_start3A_338 : memref<128x128xf32, #tpu.memory_space<hbm>>) target_semaphore(%arg19 : memref<!tpu.dma_semaphore, #tpu.memory_space<semaphore_mem>>)
      } else {
      }
      %add3A_287 = arith.constant 4 : i32
      %add3A_288 = arith.addi %add3A_82, %add3A_287 : i32
      %add3A_289 = arith.addi %mul3A_86, %mul3A_92 : i32
      %add3A_290 = arith.constant 512 : i32
      %add3A_291 = arith.addi %add3A_289, %add3A_290 : i32
      %multiple_of3A_292 = tpu.assume_multiple %add3A_291, 128 : i32
      %lt3A_293 = arith.constant 15625 : i32
      %lt3A_294 = arith.cmpi slt, %add3A_288, %lt3A_293 : i32
      %convert_element_type3A_295 = arith.extui %lt3A_294 : i1 to i32
      %cond3A_296 = arith.constant 0 : i32
      %cond3A_297 = arith.cmpi ne, %convert_element_type3A_295, %cond3A_296 : i32
      scf.if %cond3A_297 {
        %dma_wait3A = arith.constant 4 : i32
        %dma_wait3A_320 = arith.constant 0 : i32
        %dma_wait3A_321 = arith.constant 0 : i32
        %dma_wait3A_322 = tpu.memref_slice %arg6[%dma_wait3A, %dma_wait3A_320, %dma_wait3A_321] : memref<7x128x128xf32, #tpu.memory_space<vmem>> -> memref<1x128x128xf32, #tpu.memory_space<vmem>>
        %dma_wait3A_323 = tpu.memref_squeeze %dma_wait3A_322 : memref<1x128x128xf32, #tpu.memory_space<vmem>> -> memref<128x128xf32, #tpu.memory_space<vmem>>
        %dma_wait3A_324 = tpu.memref_slice %arg5[%multiple_of3A_292] : memref<7168xi32, #tpu.memory_space<vmem>> -> memref<128xi32, #tpu.memory_space<vmem>>
        %dma_wait3A_325 = arith.constant 0 : i32
        %dma_wait3A_326 = arith.constant 0 : i32
        %dma_wait3A_327 = tpu.memref_slice %arg7[%dma_wait3A_325, %dma_wait3A_326] : memref<128x128xf32, #tpu.memory_space<vmem_shared>> -> memref<128x128xf32, #tpu.memory_space<vmem_shared>>
        tpu.wait_indirect_dma semaphore(%arg13 : memref<!tpu.dma_semaphore, #tpu.memory_space<semaphore_mem>>) src(%dma_wait3A_327 : memref<128x128xf32, #tpu.memory_space<vmem_shared>>) dst(%dma_wait3A_323 : memref<128x128xf32, #tpu.memory_space<vmem>>)
        %mul3A_328 = arith.constant 128 : i32
        %mul3A_329 = arith.muli %add3A_288, %mul3A_328 : i32
        %dma_start3A_330 = arith.constant 4 : i32
        %dma_start3A_331 = arith.constant 0 : i32
        %dma_start3A_332 = arith.constant 0 : i32
        %dma_start3A_333 = tpu.memref_slice %arg6[%dma_start3A_330, %dma_start3A_331, %dma_start3A_332] : memref<7x128x128xf32, #tpu.memory_space<vmem>> -> memref<1x128x128xf32, #tpu.memory_space<vmem>>
        %dma_start3A_334 = tpu.memref_squeeze %dma_start3A_333 : memref<1x128x128xf32, #tpu.memory_space<vmem>> -> memref<128x128xf32, #tpu.memory_space<vmem>>
        %dma_start3A_335 = arith.constant 0 : i32
        %dma_start3A_336 = tpu.memref_slice %arg4[%mul3A_329, %dma_start3A_335] : memref<2000000x128xf32, #tpu.memory_space<hbm>> -> memref<128x128xf32, #tpu.memory_space<hbm>>
        %dma_start3A_337 = arith.constant 0 : i32
        %dma_start3A_338 = tpu.memref_slice %arg4[%mul3A_329, %dma_start3A_337] : memref<2000000x128xf32, #tpu.memory_space<hbm>> -> memref<128x128xf32, #tpu.memory_space<hbm>>
        %dma_start3A_339 = arith.constant 0 : i32
        %dma_start3A_340 = arith.constant 0 : i32
        %dma_start3A_341 = tpu.memref_slice %arg6[%dma_start3A_330, %dma_start3A_339, %dma_start3A_340] : memref<7x128x128xf32, #tpu.memory_space<vmem>> -> memref<1x128x128xf32, #tpu.memory_space<vmem>>
        %dma_start3A_342 = tpu.memref_squeeze %dma_start3A_341 : memref<1x128x128xf32, #tpu.memory_space<vmem>> -> memref<128x128xf32, #tpu.memory_space<vmem>>
        tpu.enqueue_dma source(%dma_start3A_342 : memref<128x128xf32, #tpu.memory_space<vmem>>) target(%dma_start3A_338 : memref<128x128xf32, #tpu.memory_space<hbm>>) target_semaphore(%arg20 : memref<!tpu.dma_semaphore, #tpu.memory_space<semaphore_mem>>)
      } else {
      }
      %add3A_298 = arith.constant 5 : i32
      %add3A_299 = arith.addi %add3A_82, %add3A_298 : i32
      %add3A_300 = arith.addi %mul3A_86, %mul3A_92 : i32
      %add3A_301 = arith.constant 640 : i32
      %add3A_302 = arith.addi %add3A_300, %add3A_301 : i32
      %multiple_of3A_303 = tpu.assume_multiple %add3A_302, 128 : i32
      %lt3A_304 = arith.constant 15625 : i32
      %lt3A_305 = arith.cmpi slt, %add3A_299, %lt3A_304 : i32
      %convert_element_type3A_306 = arith.extui %lt3A_305 : i1 to i32
      %cond3A_307 = arith.constant 0 : i32
      %cond3A_308 = arith.cmpi ne, %convert_element_type3A_306, %cond3A_307 : i32
      scf.if %cond3A_308 {
        %dma_wait3A = arith.constant 5 : i32
        %dma_wait3A_320 = arith.constant 0 : i32
        %dma_wait3A_321 = arith.constant 0 : i32
        %dma_wait3A_322 = tpu.memref_slice %arg6[%dma_wait3A, %dma_wait3A_320, %dma_wait3A_321] : memref<7x128x128xf32, #tpu.memory_space<vmem>> -> memref<1x128x128xf32, #tpu.memory_space<vmem>>
        %dma_wait3A_323 = tpu.memref_squeeze %dma_wait3A_322 : memref<1x128x128xf32, #tpu.memory_space<vmem>> -> memref<128x128xf32, #tpu.memory_space<vmem>>
        %dma_wait3A_324 = tpu.memref_slice %arg5[%multiple_of3A_303] : memref<7168xi32, #tpu.memory_space<vmem>> -> memref<128xi32, #tpu.memory_space<vmem>>
        %dma_wait3A_325 = arith.constant 0 : i32
        %dma_wait3A_326 = arith.constant 0 : i32
        %dma_wait3A_327 = tpu.memref_slice %arg7[%dma_wait3A_325, %dma_wait3A_326] : memref<128x128xf32, #tpu.memory_space<vmem_shared>> -> memref<128x128xf32, #tpu.memory_space<vmem_shared>>
        tpu.wait_indirect_dma semaphore(%arg14 : memref<!tpu.dma_semaphore, #tpu.memory_space<semaphore_mem>>) src(%dma_wait3A_327 : memref<128x128xf32, #tpu.memory_space<vmem_shared>>) dst(%dma_wait3A_323 : memref<128x128xf32, #tpu.memory_space<vmem>>)
        %mul3A_328 = arith.constant 128 : i32
        %mul3A_329 = arith.muli %add3A_299, %mul3A_328 : i32
        %dma_start3A_330 = arith.constant 5 : i32
        %dma_start3A_331 = arith.constant 0 : i32
        %dma_start3A_332 = arith.constant 0 : i32
        %dma_start3A_333 = tpu.memref_slice %arg6[%dma_start3A_330, %dma_start3A_331, %dma_start3A_332] : memref<7x128x128xf32, #tpu.memory_space<vmem>> -> memref<1x128x128xf32, #tpu.memory_space<vmem>>
        %dma_start3A_334 = tpu.memref_squeeze %dma_start3A_333 : memref<1x128x128xf32, #tpu.memory_space<vmem>> -> memref<128x128xf32, #tpu.memory_space<vmem>>
        %dma_start3A_335 = arith.constant 0 : i32
        %dma_start3A_336 = tpu.memref_slice %arg4[%mul3A_329, %dma_start3A_335] : memref<2000000x128xf32, #tpu.memory_space<hbm>> -> memref<128x128xf32, #tpu.memory_space<hbm>>
        %dma_start3A_337 = arith.constant 0 : i32
        %dma_start3A_338 = tpu.memref_slice %arg4[%mul3A_329, %dma_start3A_337] : memref<2000000x128xf32, #tpu.memory_space<hbm>> -> memref<128x128xf32, #tpu.memory_space<hbm>>
        %dma_start3A_339 = arith.constant 0 : i32
        %dma_start3A_340 = arith.constant 0 : i32
        %dma_start3A_341 = tpu.memref_slice %arg6[%dma_start3A_330, %dma_start3A_339, %dma_start3A_340] : memref<7x128x128xf32, #tpu.memory_space<vmem>> -> memref<1x128x128xf32, #tpu.memory_space<vmem>>
        %dma_start3A_342 = tpu.memref_squeeze %dma_start3A_341 : memref<1x128x128xf32, #tpu.memory_space<vmem>> -> memref<128x128xf32, #tpu.memory_space<vmem>>
        tpu.enqueue_dma source(%dma_start3A_342 : memref<128x128xf32, #tpu.memory_space<vmem>>) target(%dma_start3A_338 : memref<128x128xf32, #tpu.memory_space<hbm>>) target_semaphore(%arg21 : memref<!tpu.dma_semaphore, #tpu.memory_space<semaphore_mem>>)
      } else {
      }
      %add3A_309 = arith.constant 6 : i32
      %add3A_310 = arith.addi %add3A_82, %add3A_309 : i32
      %add3A_311 = arith.addi %mul3A_86, %mul3A_92 : i32
      %add3A_312 = arith.constant 768 : i32
      %add3A_313 = arith.addi %add3A_311, %add3A_312 : i32
      %multiple_of3A_314 = tpu.assume_multiple %add3A_313, 128 : i32
      %lt3A_315 = arith.constant 15625 : i32
      %lt3A_316 = arith.cmpi slt, %add3A_310, %lt3A_315 : i32
      %convert_element_type3A_317 = arith.extui %lt3A_316 : i1 to i32
      %cond3A_318 = arith.constant 0 : i32
      %cond3A_319 = arith.cmpi ne, %convert_element_type3A_317, %cond3A_318 : i32
      scf.if %cond3A_319 {
        %dma_wait3A = arith.constant 6 : i32
        %dma_wait3A_320 = arith.constant 0 : i32
        %dma_wait3A_321 = arith.constant 0 : i32
        %dma_wait3A_322 = tpu.memref_slice %arg6[%dma_wait3A, %dma_wait3A_320, %dma_wait3A_321] : memref<7x128x128xf32, #tpu.memory_space<vmem>> -> memref<1x128x128xf32, #tpu.memory_space<vmem>>
        %dma_wait3A_323 = tpu.memref_squeeze %dma_wait3A_322 : memref<1x128x128xf32, #tpu.memory_space<vmem>> -> memref<128x128xf32, #tpu.memory_space<vmem>>
        %dma_wait3A_324 = tpu.memref_slice %arg5[%multiple_of3A_314] : memref<7168xi32, #tpu.memory_space<vmem>> -> memref<128xi32, #tpu.memory_space<vmem>>
        %dma_wait3A_325 = arith.constant 0 : i32
        %dma_wait3A_326 = arith.constant 0 : i32
        %dma_wait3A_327 = tpu.memref_slice %arg7[%dma_wait3A_325, %dma_wait3A_326] : memref<128x128xf32, #tpu.memory_space<vmem_shared>> -> memref<128x128xf32, #tpu.memory_space<vmem_shared>>
        tpu.wait_indirect_dma semaphore(%arg15 : memref<!tpu.dma_semaphore, #tpu.memory_space<semaphore_mem>>) src(%dma_wait3A_327 : memref<128x128xf32, #tpu.memory_space<vmem_shared>>) dst(%dma_wait3A_323 : memref<128x128xf32, #tpu.memory_space<vmem>>)
        %mul3A_328 = arith.constant 128 : i32
        %mul3A_329 = arith.muli %add3A_310, %mul3A_328 : i32
        %dma_start3A_330 = arith.constant 6 : i32
        %dma_start3A_331 = arith.constant 0 : i32
        %dma_start3A_332 = arith.constant 0 : i32
        %dma_start3A_333 = tpu.memref_slice %arg6[%dma_start3A_330, %dma_start3A_331, %dma_start3A_332] : memref<7x128x128xf32, #tpu.memory_space<vmem>> -> memref<1x128x128xf32, #tpu.memory_space<vmem>>
        %dma_start3A_334 = tpu.memref_squeeze %dma_start3A_333 : memref<1x128x128xf32, #tpu.memory_space<vmem>> -> memref<128x128xf32, #tpu.memory_space<vmem>>
        %dma_start3A_335 = arith.constant 0 : i32
        %dma_start3A_336 = tpu.memref_slice %arg4[%mul3A_329, %dma_start3A_335] : memref<2000000x128xf32, #tpu.memory_space<hbm>> -> memref<128x128xf32, #tpu.memory_space<hbm>>
        %dma_start3A_337 = arith.constant 0 : i32
        %dma_start3A_338 = tpu.memref_slice %arg4[%mul3A_329, %dma_start3A_337] : memref<2000000x128xf32, #tpu.memory_space<hbm>> -> memref<128x128xf32, #tpu.memory_space<hbm>>
        %dma_start3A_339 = arith.constant 0 : i32
        %dma_start3A_340 = arith.constant 0 : i32
        %dma_start3A_341 = tpu.memref_slice %arg6[%dma_start3A_330, %dma_start3A_339, %dma_start3A_340] : memref<7x128x128xf32, #tpu.memory_space<vmem>> -> memref<1x128x128xf32, #tpu.memory_space<vmem>>
        %dma_start3A_342 = tpu.memref_squeeze %dma_start3A_341 : memref<1x128x128xf32, #tpu.memory_space<vmem>> -> memref<128x128xf32, #tpu.memory_space<vmem>>
        tpu.enqueue_dma source(%dma_start3A_342 : memref<128x128xf32, #tpu.memory_space<vmem>>) target(%dma_start3A_338 : memref<128x128xf32, #tpu.memory_space<hbm>>) target_semaphore(%arg22 : memref<!tpu.dma_semaphore, #tpu.memory_space<semaphore_mem>>)
      } else {
      }
    }
    %scan3A_16 = arith.constant 72 : i32
    %add3A_17 = arith.constant 497 : i32
    %add3A_18 = arith.addi %mul3A_2, %add3A_17 : i32
    %add3A_19 = arith.constant 0 : i32
    %add3A_20 = arith.addi %add3A_18, %add3A_19 : i32
    %lt3A = arith.constant 15625 : i32
    %lt3A_21 = arith.cmpi slt, %add3A_20, %lt3A : i32
    %convert_element_type3A_22 = arith.extui %lt3A_21 : i1 to i32
    %cond3A_23 = arith.constant 0 : i32
    %cond3A_24 = arith.cmpi ne, %convert_element_type3A_22, %cond3A_23 : i32
    scf.if %cond3A_24 {
      %dma_wait3A = arith.constant 0 : i32
      %dma_wait3A_79 = arith.constant 0 : i32
      %dma_wait3A_80 = arith.constant 0 : i32
      %dma_wait3A_81 = tpu.memref_slice %arg6[%dma_wait3A, %dma_wait3A_79, %dma_wait3A_80] : memref<7x128x128xf32, #tpu.memory_space<vmem>> -> memref<1x128x128xf32, #tpu.memory_space<vmem>>
      %dma_wait3A_82 = tpu.memref_squeeze %dma_wait3A_81 : memref<1x128x128xf32, #tpu.memory_space<vmem>> -> memref<128x128xf32, #tpu.memory_space<vmem>>
      %dma_wait3A_83 = arith.constant 0 : i32
      %dma_wait3A_84 = arith.constant 0 : i32
      %dma_wait3A_85 = tpu.memref_slice %arg4[%dma_wait3A_83, %dma_wait3A_84] : memref<2000000x128xf32, #tpu.memory_space<hbm>> -> memref<128x128xf32, #tpu.memory_space<hbm>>
      %dma_wait3A_86 = arith.constant 0 : i32
      %dma_wait3A_87 = arith.constant 0 : i32
      %dma_wait3A_88 = tpu.memref_slice %arg4[%dma_wait3A_86, %dma_wait3A_87] : memref<2000000x128xf32, #tpu.memory_space<hbm>> -> memref<128x128xf32, #tpu.memory_space<hbm>>
      %dma_wait3A_89 = arith.constant 0 : i32
      %dma_wait3A_90 = arith.constant 0 : i32
      %dma_wait3A_91 = tpu.memref_slice %arg6[%dma_wait3A, %dma_wait3A_89, %dma_wait3A_90] : memref<7x128x128xf32, #tpu.memory_space<vmem>> -> memref<1x128x128xf32, #tpu.memory_space<vmem>>
      %dma_wait3A_92 = tpu.memref_squeeze %dma_wait3A_91 : memref<1x128x128xf32, #tpu.memory_space<vmem>> -> memref<128x128xf32, #tpu.memory_space<vmem>>
      tpu.wait_dma2 semaphore(%arg16 : memref<!tpu.dma_semaphore, #tpu.memory_space<semaphore_mem>>) src(%dma_wait3A_92 : memref<128x128xf32, #tpu.memory_space<vmem>>) dst(%dma_wait3A_88 : memref<128x128xf32, #tpu.memory_space<hbm>>)
    } else {
    }
    %add3A_25 = arith.constant 497 : i32
    %add3A_26 = arith.addi %mul3A_2, %add3A_25 : i32
    %add3A_27 = arith.constant 1 : i32
    %add3A_28 = arith.addi %add3A_26, %add3A_27 : i32
    %lt3A_29 = arith.constant 15625 : i32
    %lt3A_30 = arith.cmpi slt, %add3A_28, %lt3A_29 : i32
    %convert_element_type3A_31 = arith.extui %lt3A_30 : i1 to i32
    %cond3A_32 = arith.constant 0 : i32
    %cond3A_33 = arith.cmpi ne, %convert_element_type3A_31, %cond3A_32 : i32
    scf.if %cond3A_33 {
      %dma_wait3A = arith.constant 1 : i32
      %dma_wait3A_79 = arith.constant 0 : i32
      %dma_wait3A_80 = arith.constant 0 : i32
      %dma_wait3A_81 = tpu.memref_slice %arg6[%dma_wait3A, %dma_wait3A_79, %dma_wait3A_80] : memref<7x128x128xf32, #tpu.memory_space<vmem>> -> memref<1x128x128xf32, #tpu.memory_space<vmem>>
      %dma_wait3A_82 = tpu.memref_squeeze %dma_wait3A_81 : memref<1x128x128xf32, #tpu.memory_space<vmem>> -> memref<128x128xf32, #tpu.memory_space<vmem>>
      %dma_wait3A_83 = arith.constant 0 : i32
      %dma_wait3A_84 = arith.constant 0 : i32
      %dma_wait3A_85 = tpu.memref_slice %arg4[%dma_wait3A_83, %dma_wait3A_84] : memref<2000000x128xf32, #tpu.memory_space<hbm>> -> memref<128x128xf32, #tpu.memory_space<hbm>>
      %dma_wait3A_86 = arith.constant 0 : i32
      %dma_wait3A_87 = arith.constant 0 : i32
      %dma_wait3A_88 = tpu.memref_slice %arg4[%dma_wait3A_86, %dma_wait3A_87] : memref<2000000x128xf32, #tpu.memory_space<hbm>> -> memref<128x128xf32, #tpu.memory_space<hbm>>
      %dma_wait3A_89 = arith.constant 0 : i32
      %dma_wait3A_90 = arith.constant 0 : i32
      %dma_wait3A_91 = tpu.memref_slice %arg6[%dma_wait3A, %dma_wait3A_89, %dma_wait3A_90] : memref<7x128x128xf32, #tpu.memory_space<vmem>> -> memref<1x128x128xf32, #tpu.memory_space<vmem>>
      %dma_wait3A_92 = tpu.memref_squeeze %dma_wait3A_91 : memref<1x128x128xf32, #tpu.memory_space<vmem>> -> memref<128x128xf32, #tpu.memory_space<vmem>>
      tpu.wait_dma2 semaphore(%arg17 : memref<!tpu.dma_semaphore, #tpu.memory_space<semaphore_mem>>) src(%dma_wait3A_92 : memref<128x128xf32, #tpu.memory_space<vmem>>) dst(%dma_wait3A_88 : memref<128x128xf32, #tpu.memory_space<hbm>>)
    } else {
    }
    %add3A_34 = arith.constant 497 : i32
    %add3A_35 = arith.addi %mul3A_2, %add3A_34 : i32
    %add3A_36 = arith.constant 2 : i32
    %add3A_37 = arith.addi %add3A_35, %add3A_36 : i32
    %lt3A_38 = arith.constant 15625 : i32
    %lt3A_39 = arith.cmpi slt, %add3A_37, %lt3A_38 : i32
    %convert_element_type3A_40 = arith.extui %lt3A_39 : i1 to i32
    %cond3A_41 = arith.constant 0 : i32
    %cond3A_42 = arith.cmpi ne, %convert_element_type3A_40, %cond3A_41 : i32
    scf.if %cond3A_42 {
      %dma_wait3A = arith.constant 2 : i32
      %dma_wait3A_79 = arith.constant 0 : i32
      %dma_wait3A_80 = arith.constant 0 : i32
      %dma_wait3A_81 = tpu.memref_slice %arg6[%dma_wait3A, %dma_wait3A_79, %dma_wait3A_80] : memref<7x128x128xf32, #tpu.memory_space<vmem>> -> memref<1x128x128xf32, #tpu.memory_space<vmem>>
      %dma_wait3A_82 = tpu.memref_squeeze %dma_wait3A_81 : memref<1x128x128xf32, #tpu.memory_space<vmem>> -> memref<128x128xf32, #tpu.memory_space<vmem>>
      %dma_wait3A_83 = arith.constant 0 : i32
      %dma_wait3A_84 = arith.constant 0 : i32
      %dma_wait3A_85 = tpu.memref_slice %arg4[%dma_wait3A_83, %dma_wait3A_84] : memref<2000000x128xf32, #tpu.memory_space<hbm>> -> memref<128x128xf32, #tpu.memory_space<hbm>>
      %dma_wait3A_86 = arith.constant 0 : i32
      %dma_wait3A_87 = arith.constant 0 : i32
      %dma_wait3A_88 = tpu.memref_slice %arg4[%dma_wait3A_86, %dma_wait3A_87] : memref<2000000x128xf32, #tpu.memory_space<hbm>> -> memref<128x128xf32, #tpu.memory_space<hbm>>
      %dma_wait3A_89 = arith.constant 0 : i32
      %dma_wait3A_90 = arith.constant 0 : i32
      %dma_wait3A_91 = tpu.memref_slice %arg6[%dma_wait3A, %dma_wait3A_89, %dma_wait3A_90] : memref<7x128x128xf32, #tpu.memory_space<vmem>> -> memref<1x128x128xf32, #tpu.memory_space<vmem>>
      %dma_wait3A_92 = tpu.memref_squeeze %dma_wait3A_91 : memref<1x128x128xf32, #tpu.memory_space<vmem>> -> memref<128x128xf32, #tpu.memory_space<vmem>>
      tpu.wait_dma2 semaphore(%arg18 : memref<!tpu.dma_semaphore, #tpu.memory_space<semaphore_mem>>) src(%dma_wait3A_92 : memref<128x128xf32, #tpu.memory_space<vmem>>) dst(%dma_wait3A_88 : memref<128x128xf32, #tpu.memory_space<hbm>>)
    } else {
    }
    %add3A_43 = arith.constant 497 : i32
    %add3A_44 = arith.addi %mul3A_2, %add3A_43 : i32
    %add3A_45 = arith.constant 3 : i32
    %add3A_46 = arith.addi %add3A_44, %add3A_45 : i32
    %lt3A_47 = arith.constant 15625 : i32
    %lt3A_48 = arith.cmpi slt, %add3A_46, %lt3A_47 : i32
    %convert_element_type3A_49 = arith.extui %lt3A_48 : i1 to i32
    %cond3A_50 = arith.constant 0 : i32
    %cond3A_51 = arith.cmpi ne, %convert_element_type3A_49, %cond3A_50 : i32
    scf.if %cond3A_51 {
      %dma_wait3A = arith.constant 3 : i32
      %dma_wait3A_79 = arith.constant 0 : i32
      %dma_wait3A_80 = arith.constant 0 : i32
      %dma_wait3A_81 = tpu.memref_slice %arg6[%dma_wait3A, %dma_wait3A_79, %dma_wait3A_80] : memref<7x128x128xf32, #tpu.memory_space<vmem>> -> memref<1x128x128xf32, #tpu.memory_space<vmem>>
      %dma_wait3A_82 = tpu.memref_squeeze %dma_wait3A_81 : memref<1x128x128xf32, #tpu.memory_space<vmem>> -> memref<128x128xf32, #tpu.memory_space<vmem>>
      %dma_wait3A_83 = arith.constant 0 : i32
      %dma_wait3A_84 = arith.constant 0 : i32
      %dma_wait3A_85 = tpu.memref_slice %arg4[%dma_wait3A_83, %dma_wait3A_84] : memref<2000000x128xf32, #tpu.memory_space<hbm>> -> memref<128x128xf32, #tpu.memory_space<hbm>>
      %dma_wait3A_86 = arith.constant 0 : i32
      %dma_wait3A_87 = arith.constant 0 : i32
      %dma_wait3A_88 = tpu.memref_slice %arg4[%dma_wait3A_86, %dma_wait3A_87] : memref<2000000x128xf32, #tpu.memory_space<hbm>> -> memref<128x128xf32, #tpu.memory_space<hbm>>
      %dma_wait3A_89 = arith.constant 0 : i32
      %dma_wait3A_90 = arith.constant 0 : i32
      %dma_wait3A_91 = tpu.memref_slice %arg6[%dma_wait3A, %dma_wait3A_89, %dma_wait3A_90] : memref<7x128x128xf32, #tpu.memory_space<vmem>> -> memref<1x128x128xf32, #tpu.memory_space<vmem>>
      %dma_wait3A_92 = tpu.memref_squeeze %dma_wait3A_91 : memref<1x128x128xf32, #tpu.memory_space<vmem>> -> memref<128x128xf32, #tpu.memory_space<vmem>>
      tpu.wait_dma2 semaphore(%arg19 : memref<!tpu.dma_semaphore, #tpu.memory_space<semaphore_mem>>) src(%dma_wait3A_92 : memref<128x128xf32, #tpu.memory_space<vmem>>) dst(%dma_wait3A_88 : memref<128x128xf32, #tpu.memory_space<hbm>>)
    } else {
    }
    %add3A_52 = arith.constant 497 : i32
    %add3A_53 = arith.addi %mul3A_2, %add3A_52 : i32
    %add3A_54 = arith.constant 4 : i32
    %add3A_55 = arith.addi %add3A_53, %add3A_54 : i32
    %lt3A_56 = arith.constant 15625 : i32
    %lt3A_57 = arith.cmpi slt, %add3A_55, %lt3A_56 : i32
    %convert_element_type3A_58 = arith.extui %lt3A_57 : i1 to i32
    %cond3A_59 = arith.constant 0 : i32
    %cond3A_60 = arith.cmpi ne, %convert_element_type3A_58, %cond3A_59 : i32
    scf.if %cond3A_60 {
      %dma_wait3A = arith.constant 4 : i32
      %dma_wait3A_79 = arith.constant 0 : i32
      %dma_wait3A_80 = arith.constant 0 : i32
      %dma_wait3A_81 = tpu.memref_slice %arg6[%dma_wait3A, %dma_wait3A_79, %dma_wait3A_80] : memref<7x128x128xf32, #tpu.memory_space<vmem>> -> memref<1x128x128xf32, #tpu.memory_space<vmem>>
      %dma_wait3A_82 = tpu.memref_squeeze %dma_wait3A_81 : memref<1x128x128xf32, #tpu.memory_space<vmem>> -> memref<128x128xf32, #tpu.memory_space<vmem>>
      %dma_wait3A_83 = arith.constant 0 : i32
      %dma_wait3A_84 = arith.constant 0 : i32
      %dma_wait3A_85 = tpu.memref_slice %arg4[%dma_wait3A_83, %dma_wait3A_84] : memref<2000000x128xf32, #tpu.memory_space<hbm>> -> memref<128x128xf32, #tpu.memory_space<hbm>>
      %dma_wait3A_86 = arith.constant 0 : i32
      %dma_wait3A_87 = arith.constant 0 : i32
      %dma_wait3A_88 = tpu.memref_slice %arg4[%dma_wait3A_86, %dma_wait3A_87] : memref<2000000x128xf32, #tpu.memory_space<hbm>> -> memref<128x128xf32, #tpu.memory_space<hbm>>
      %dma_wait3A_89 = arith.constant 0 : i32
      %dma_wait3A_90 = arith.constant 0 : i32
      %dma_wait3A_91 = tpu.memref_slice %arg6[%dma_wait3A, %dma_wait3A_89, %dma_wait3A_90] : memref<7x128x128xf32, #tpu.memory_space<vmem>> -> memref<1x128x128xf32, #tpu.memory_space<vmem>>
      %dma_wait3A_92 = tpu.memref_squeeze %dma_wait3A_91 : memref<1x128x128xf32, #tpu.memory_space<vmem>> -> memref<128x128xf32, #tpu.memory_space<vmem>>
      tpu.wait_dma2 semaphore(%arg20 : memref<!tpu.dma_semaphore, #tpu.memory_space<semaphore_mem>>) src(%dma_wait3A_92 : memref<128x128xf32, #tpu.memory_space<vmem>>) dst(%dma_wait3A_88 : memref<128x128xf32, #tpu.memory_space<hbm>>)
    } else {
    }
    %add3A_61 = arith.constant 497 : i32
    %add3A_62 = arith.addi %mul3A_2, %add3A_61 : i32
    %add3A_63 = arith.constant 5 : i32
    %add3A_64 = arith.addi %add3A_62, %add3A_63 : i32
    %lt3A_65 = arith.constant 15625 : i32
    %lt3A_66 = arith.cmpi slt, %add3A_64, %lt3A_65 : i32
    %convert_element_type3A_67 = arith.extui %lt3A_66 : i1 to i32
    %cond3A_68 = arith.constant 0 : i32
    %cond3A_69 = arith.cmpi ne, %convert_element_type3A_67, %cond3A_68 : i32
    scf.if %cond3A_69 {
      %dma_wait3A = arith.constant 5 : i32
      %dma_wait3A_79 = arith.constant 0 : i32
      %dma_wait3A_80 = arith.constant 0 : i32
      %dma_wait3A_81 = tpu.memref_slice %arg6[%dma_wait3A, %dma_wait3A_79, %dma_wait3A_80] : memref<7x128x128xf32, #tpu.memory_space<vmem>> -> memref<1x128x128xf32, #tpu.memory_space<vmem>>
      %dma_wait3A_82 = tpu.memref_squeeze %dma_wait3A_81 : memref<1x128x128xf32, #tpu.memory_space<vmem>> -> memref<128x128xf32, #tpu.memory_space<vmem>>
      %dma_wait3A_83 = arith.constant 0 : i32
      %dma_wait3A_84 = arith.constant 0 : i32
      %dma_wait3A_85 = tpu.memref_slice %arg4[%dma_wait3A_83, %dma_wait3A_84] : memref<2000000x128xf32, #tpu.memory_space<hbm>> -> memref<128x128xf32, #tpu.memory_space<hbm>>
      %dma_wait3A_86 = arith.constant 0 : i32
      %dma_wait3A_87 = arith.constant 0 : i32
      %dma_wait3A_88 = tpu.memref_slice %arg4[%dma_wait3A_86, %dma_wait3A_87] : memref<2000000x128xf32, #tpu.memory_space<hbm>> -> memref<128x128xf32, #tpu.memory_space<hbm>>
      %dma_wait3A_89 = arith.constant 0 : i32
      %dma_wait3A_90 = arith.constant 0 : i32
      %dma_wait3A_91 = tpu.memref_slice %arg6[%dma_wait3A, %dma_wait3A_89, %dma_wait3A_90] : memref<7x128x128xf32, #tpu.memory_space<vmem>> -> memref<1x128x128xf32, #tpu.memory_space<vmem>>
      %dma_wait3A_92 = tpu.memref_squeeze %dma_wait3A_91 : memref<1x128x128xf32, #tpu.memory_space<vmem>> -> memref<128x128xf32, #tpu.memory_space<vmem>>
      tpu.wait_dma2 semaphore(%arg21 : memref<!tpu.dma_semaphore, #tpu.memory_space<semaphore_mem>>) src(%dma_wait3A_92 : memref<128x128xf32, #tpu.memory_space<vmem>>) dst(%dma_wait3A_88 : memref<128x128xf32, #tpu.memory_space<hbm>>)
    } else {
    }
    %add3A_70 = arith.constant 497 : i32
    %add3A_71 = arith.addi %mul3A_2, %add3A_70 : i32
    %add3A_72 = arith.constant 6 : i32
    %add3A_73 = arith.addi %add3A_71, %add3A_72 : i32
    %lt3A_74 = arith.constant 15625 : i32
    %lt3A_75 = arith.cmpi slt, %add3A_73, %lt3A_74 : i32
    %convert_element_type3A_76 = arith.extui %lt3A_75 : i1 to i32
    %cond3A_77 = arith.constant 0 : i32
    %cond3A_78 = arith.cmpi ne, %convert_element_type3A_76, %cond3A_77 : i32
    scf.if %cond3A_78 {
      %dma_wait3A = arith.constant 6 : i32
      %dma_wait3A_79 = arith.constant 0 : i32
      %dma_wait3A_80 = arith.constant 0 : i32
      %dma_wait3A_81 = tpu.memref_slice %arg6[%dma_wait3A, %dma_wait3A_79, %dma_wait3A_80] : memref<7x128x128xf32, #tpu.memory_space<vmem>> -> memref<1x128x128xf32, #tpu.memory_space<vmem>>
      %dma_wait3A_82 = tpu.memref_squeeze %dma_wait3A_81 : memref<1x128x128xf32, #tpu.memory_space<vmem>> -> memref<128x128xf32, #tpu.memory_space<vmem>>
      %dma_wait3A_83 = arith.constant 0 : i32
      %dma_wait3A_84 = arith.constant 0 : i32
      %dma_wait3A_85 = tpu.memref_slice %arg4[%dma_wait3A_83, %dma_wait3A_84] : memref<2000000x128xf32, #tpu.memory_space<hbm>> -> memref<128x128xf32, #tpu.memory_space<hbm>>
      %dma_wait3A_86 = arith.constant 0 : i32
      %dma_wait3A_87 = arith.constant 0 : i32
      %dma_wait3A_88 = tpu.memref_slice %arg4[%dma_wait3A_86, %dma_wait3A_87] : memref<2000000x128xf32, #tpu.memory_space<hbm>> -> memref<128x128xf32, #tpu.memory_space<hbm>>
      %dma_wait3A_89 = arith.constant 0 : i32
      %dma_wait3A_90 = arith.constant 0 : i32
      %dma_wait3A_91 = tpu.memref_slice %arg6[%dma_wait3A, %dma_wait3A_89, %dma_wait3A_90] : memref<7x128x128xf32, #tpu.memory_space<vmem>> -> memref<1x128x128xf32, #tpu.memory_space<vmem>>
      %dma_wait3A_92 = tpu.memref_squeeze %dma_wait3A_91 : memref<1x128x128xf32, #tpu.memory_space<vmem>> -> memref<128x128xf32, #tpu.memory_space<vmem>>
      tpu.wait_dma2 semaphore(%arg22 : memref<!tpu.dma_semaphore, #tpu.memory_space<semaphore_mem>>) src(%dma_wait3A_92 : memref<128x128xf32, #tpu.memory_space<vmem>>) dst(%dma_wait3A_88 : memref<128x128xf32, #tpu.memory_space<hbm>>)
    } else {
    }
    return
  }
}

module attributes {stable_mosaic.version = 14 : i64} {
  func.func @_proj_body(%arg0: memref<119x3xf32, #tpu.memory_space<vmem>>, %arg1: memref<3x128xf32, #tpu.memory_space<vmem>>, %arg2: memref<1x128xf32, #tpu.memory_space<vmem>>, %arg3: memref<128x128xf32, #tpu.memory_space<vmem>>) attributes {dimension_semantics = [], scalar_prefetch = 0 : i64, scratch_operands = 0 : i64, tpu.core_type = #tpu.core_type<tc>} {
    %get3A = arith.constant 0 : index
    %get3A_0 = arith.constant 0 : index
    %get3A_1 = vector.load %arg0[%get3A, %get3A_0] : memref<119x3xf32, #tpu.memory_space<vmem>>, vector<119x3xf32>
    %get3A_2 = arith.constant 0 : index
    %get3A_3 = arith.constant 0 : index
    %get3A_4 = vector.load %arg1[%get3A_2, %get3A_3] : memref<3x128xf32, #tpu.memory_space<vmem>>, vector<3x128xf32>
    %dot_general3A = arith.constant dense<0.000000e+00> : vector<119x128xf32>
    %dot_general3A_5 = tpu.matmul %get3A_1, %get3A_4, %dot_general3A {dimension_numbers = #tpu.dot_dimension_numbers<[1], [0], [0], [1], [0, 0, 1, 1], [], []>, transpose_lhs_hint = false} : vector<119x3xf32>, vector<3x128xf32>, vector<119x128xf32> -> vector<119x128xf32>
    %get3A_6 = arith.constant 0 : index
    %get3A_7 = arith.constant 0 : index
    %get3A_8 = vector.load %arg2[%get3A_6, %get3A_7] : memref<1x128xf32, #tpu.memory_space<vmem>>, vector<1x128xf32>
    %add3A = vector.broadcast %get3A_8 : vector<1x128xf32> to vector<119x128xf32>
    %add3A_9 = arith.addf %dot_general3A_5, %add3A : vector<119x128xf32>
    %swap3A = arith.constant 0 : index
    %swap3A_10 = arith.constant 0 : index
    %swap3A_11 = vector.load %arg3[%swap3A, %swap3A_10] : memref<128x128xf32, #tpu.memory_space<vmem>>, vector<119x128xf32>
    tpu.vector_store %arg3[%swap3A, %swap3A_10], %add3A_9 {strides = array<i32>} : memref<128x128xf32, #tpu.memory_space<vmem>>, vector<119x128xf32>,
    return
  }
}

</mosaic_0001>

<sc_bundles>
// kernel: kernel.4.cloned.1.call-start
scs
__scs_entry_jumppad:
0x0: {  	(pc) =	sbr.rel $0x88, $3  }
0x1: {  	(tag) =	ssettag $0x0;
	lr =	simm.s32 $0x1  }
0x2: {  	[smem:$0x3F9D] =	sst lr;
	_ =	strace $0xD0000000  }
0x3: {  	_ = 	snop  }
0x4: {  	_ = 	snop  }
0x5: {  	_ = 	snop  }
0x6: {  	_ = 	snop  }
0x7: {  	_ = 	snop  }
__scs_overlays_trampoline_lowered:
0x8: {  	[smem:$0x3FAC] =	sst s0  }
0x9: {  	[smem:$0x3FAD] =	sst s1  }
0xa: {  	[smem:$0x3FAE] =	sst s2  }
0xb: {  	[smem:$0x3FAF] =	sst s3  }
0xc: {  	[smem:$0x3FB0] =	sst s4  }
0xd: {  	[smem:$0x3FB1] =	sst s5  }
0xe: {  	[smem:$0x3FB2] =	sst s6  }
0xf: {  	[smem:$0x3FB3] =	sst s7  }
0x10: {  	[smem:$0x3FB4] =	sst s8  }
0x11: {  	[smem:$0x3FB5] =	sst s9;
	s0 =	simm.s32 @!p0 $0x0  }
0x12: {  	s1 =	sld [smem:$0x3F9B];
	s0 =	simm.s32 @p0 $0x1  }
0x13: {  	[smem:$0x3FB6] =	sst s0;
	s0 =	simm.s32 @!p1 $0x0  }
0x14: {  	s2 =	sld [smem:$0x3F9A];
	s0 =	simm.s32 @p1 $0x1  }
0x15: {  	[smem:$0x3FB7] =	sst s0;
	s0 =	simm.s32 @!p2 $0x0  }
0x16: {  	s3 =	sld [smem:$0x3FDB];
	s0 =	simm.s32 @p2 $0x1  }
0x17: {  	s4 =	simm.s32 $0x1BF5;
	[smem:$0x3FB9] =	sst s0  }
0x18: {  	s0 =	sld [smem:$0x3F9C];
	_ =	swait.ge [sflag:s4], $0x0  }
0x19: {  	s7 =	sld [smem:$0x3F9D]  }
0x1a: {  	s8 =	sadd.s32 $0xFFFFE003, lr  }
0x1b: {  	s9 =	sadd.s32 $0xFFFFFEF7, lr;
	s5 =	simm.s32 $0xFFFFFFFF;
	p2 =	slt.u32 s8, $0xFFFFF086  }
0x1c: {  	p1 =	slt.u32 s9, $0xF7A;
	s5 =	simm.s32 @!p2 $0x0  }
0x1d: {  	s5 =	simm.s32 @p1 $0x1;
	p0 =	seq.s32 s7, s2  }
0x1e: {  	s7 =	smul.u32 @!p0 $0xF7A, s2;
	p2 =	seq.s32 @!p0 s5, $0x0  }
0x1f: {  	s9 =	smul.u32 $0xF7A, s1;
	s8 =	simm.s32 @!p0 $0x1BF5;
	p2 =	por !p2, p0  }
0x20: {  	[sflag:s8] =	ssyncset.s32 @!p0 $0xFFFFF086;
	s6 =	sadd.s32 @!p0 s3, s7;
	s7 =	simm.s32 @!p0 $0x108  }
0x21: {  	s3 =	sadd.s32 s3, s9;
	s6 =	sadd.s32 @!p0 $0x88, s6;
	s7 =	simm.s32 @p2 $0x1082  }
0x22: {  	[simem:s7], [sflag:s8] =	dma.local @!p0 [hbm:s6], $0xF7A  }
0x23: {  	s9 =	sor.u32 $0xD0000000, s2;
	s6 =	simm.s32 $0x108;
	_ =	swait.ge @!p0 [sflag:s8], $0x0  }
0x24: {  	s3 =	sadd.s32 $0x88, s3;
	s6 =	simm.s32 @!p1 $0x1082;
	[sflag:s4] =	ssyncset.s32 $0xFFFFF086  }
0x25: {  	[simem:s6], [sflag:s4] =	dma.local [hbm:s3], $0xF7A  }
0x26: {  	[smem:$0x3F9D] =	sst s1;
	(tag) =	ssettag s2;
	_ =	strace s9  }
0x27: {  	s1 =	sld [smem:$0x3FAD]  }
0x28: {  	s2 =	sld [smem:$0x3FAE]  }
0x29: {  	s4 =	sld [smem:$0x3FB0]  }
0x2a: {  	p0 =	seq.s32 s5, $0x0;
	s5 =	sld [smem:$0x3FB1]  }
0x2b: {  	s6 =	sld [smem:$0x3FB2]  }
0x2c: {  	s7 =	sld [smem:$0x3FB3]  }
0x2d: {  	s3 =	simm.s32 $0x108;
	s8 =	sld [smem:$0x3FB4]  }
0x2e: {  	s3 =	simm.s32 @!p0 $0x1082;
	s9 =	sld [smem:$0x3FB5]  }
0x2f: {  	lr =	sadd.s32 s0, s3;
	s0 =	sld [smem:$0x3FAC]  }
0x30: {  	s3 =	sld [smem:$0x3FAF]  }
0x31: {  	[smem:$0x3FB8] =	sst s10  }
0x32: {  	s10 =	sld [smem:$0x3FB6];
	_ =	sdelay $0x3  }
0x33: {  	p0 =	seq.s32 s10, $0x1;
	s10 =	sld [smem:$0x3FB8];
	_ =	sdelay $0x3  }
0x34: {  	[smem:$0x3FB8] =	sst s10  }
0x35: {  	s10 =	sld [smem:$0x3FB7];
	_ =	sdelay $0x3  }
0x36: {  	p1 =	seq.s32 s10, $0x1;
	s10 =	sld [smem:$0x3FB8];
	_ =	sdelay $0x3  }
0x37: {  	[smem:$0x3FB8] =	sst s10  }
0x38: {  	s10 =	sld [smem:$0x3FB9]  }
0x39: {  	_ = 	snop;
	(pc) =	sbr.ind lr, $3  }
0x3a: {  	_ = 	snop  }
0x3b: {  	_ = 	snop  }
0x3c: {  	p2 =	seq.s32 s10, $0x1;
	s10 =	sld [smem:$0x3FB8]  }
0x3d: {  	_ =	shalt  }
0x3e: {  	_ =	shalt  }
0x3f: {  	_ =	shalt  }
0x40: {  	_ =	shalt  }
0x41: {  	_ =	shalt  }
0x42: {  	_ =	shalt  }
0x43: {  	_ =	shalt  }
0x44: {  	_ =	shalt  }
0x45: {  	_ =	shalt  }
0x46: {  	_ =	shalt  }
0x47: {  	_ =	shalt  }
0x48: {  	_ =	shalt  }
0x49: {  	_ =	shalt  }
0x4a: {  	_ =	shalt  }
0x4b: {  	_ =	shalt  }
0x4c: {  	_ =	shalt  }
0x4d: {  	_ =	shalt  }
0x4e: {  	_ =	shalt  }
0x4f: {  	_ =	shalt  }
0x50: {  	_ =	shalt  }
0x51: {  	_ =	shalt  }
0x52: {  	_ =	shalt  }
0x53: {  	_ =	shalt  }
0x54: {  	_ =	shalt  }
0x55: {  	_ =	shalt  }
0x56: {  	_ =	shalt  }
0x57: {  	_ =	shalt  }
0x58: {  	_ =	shalt  }
0x59: {  	_ =	shalt  }
0x5a: {  	_ =	shalt  }
0x5b: {  	_ =	shalt  }
0x5c: {  	_ =	shalt  }
0x5d: {  	_ =	shalt  }
0x5e: {  	_ =	shalt  }
0x5f: {  	_ =	shalt  }
0x60: {  	_ =	shalt  }
0x61: {  	_ =	shalt  }
0x62: {  	_ =	shalt  }
0x63: {  	_ =	shalt  }
0x64: {  	_ =	shalt  }
0x65: {  	_ =	shalt  }
0x66: {  	_ =	shalt  }
0x67: {  	_ =	shalt  }
0x68: {  	_ =	shalt  }
0x69: {  	_ =	shalt  }
0x6a: {  	_ =	shalt  }
0x6b: {  	_ =	shalt  }
0x6c: {  	_ =	shalt  }
0x6d: {  	_ =	shalt  }
0x6e: {  	_ =	shalt  }
0x6f: {  	_ =	shalt  }
0x70: {  	_ =	shalt  }
0x71: {  	_ =	shalt  }
0x72: {  	_ =	shalt  }
0x73: {  	_ =	shalt  }
0x74: {  	_ =	shalt  }
0x75: {  	_ =	shalt  }
0x76: {  	_ =	shalt  }
0x77: {  	_ =	shalt  }
0x78: {  	_ =	shalt  }
0x79: {  	_ =	shalt  }
0x7a: {  	_ =	shalt  }
0x7b: {  	_ =	shalt  }
0x7c: {  	_ =	shalt  }
0x7d: {  	_ =	shalt  }
0x7e: {  	_ =	shalt  }
0x7f: {  	_ =	shalt  }
0x80: {  	_ =	shalt  }
0x81: {  	_ =	shalt  }
0x82: {  	_ =	shalt  }
0x83: {  	_ =	shalt  }
0x84: {  	_ =	shalt  }
0x85: {  	_ =	shalt  }
0x86: {  	_ =	shalt  }
0x87: {  	_ =	shalt  }
.Lfunc_end0:
.L_simem_size_0:
called_computation_lowered:
.L_overlay_start_0:
0x88: {  	s2 =	sld [smem:$0x3FD9]  }
0x89: {  	s3 =	sld [smem:$0x3FFE];
	_ =	sdelay $0x1  }
0x8a: {  	s1 =	srdreg.scid  }
0x8b: {  	s0 =	sand.u32 $0x1, s1  }
0x8c: {  	s17 =	sshll.u32 s0, $0xA;
	s2 =	sadd.s32 s3, s2  }
0x8d: {  	s2 =	sadd.s32 s2, s17  }
0x8e: {  	[smem:$0x3FC4] =	sst s2  }
0x8f: {  	_ = 	snop  }
0x90: {  	s2 =	sld [smem:$0x3FD0];
	(tm) =	ssettm $0x1  }
0x91: {  	s18 =	sld [smem:$0x3FFB];
	_ =	sdelay $0x3  }
0x92: {  	_ =	strace s18  }
0x93: {  	s3 =	sld [smem:$0x3FFC];
	_ =	sdelay $0x3  }
0x94: {  	_ =	strace s3  }
0x95: {  	s3 =	sld [smem:$0x3FFD];
	_ =	sdelay $0x3  }
0x96: {  	_ =	strace s3  }
0x97: {  	_ =	strace $0x8FFFFFFF  }
0x98: {  	s19 =	sld [smem:$0x3FDB];
	_ =	sdelay $0x1  }
0x99: {  	s4 =	simm.s32 $_scs_section_size  }
0x9a: {  	s5 =	simm.s32 $_size__tile_overlayer_lowered;
	s6 =	simm.s32 $_tile_overlayer_lowered  }
0x9b: {  	s22 =	simm.s32 $0x1BFF;
	s21 =	sshll.u32 s6, $0x1;
	s3 =	sadd.s32 s4, s19  }
0x9c: {  	s7 =	simm.s32 $0x0;
	s20 =	sshll.u32 s5, $0x1;
	s5 =	sadd.s32 s21, s3  }
0x9d: {  	[timem:s7], [sflag:s22] =	dma.local [hbm:s5], s20  }
0x9e: {  	_ =	swait.ge [sflag:s22], s20  }
0x9f: {  	s4 =	ssub.s32 $0x0, s20;
	[sflag:s22] =	ssyncset.done $0x0  }
0xa0: {  	[sflag:s22] =	ssyncadd.s32 s4;
	_ =	sdelay $0x1  }
0xa1: {  	s23 =	simm.s32 $0x1B8B  }
0xa2: {  	_ =	swait.ge [sflag:s23], $0x1  }
0xa3: {  	[sflag:s23] =	ssyncset.done $0x0  }
0xa4: {  	s25 =	simm.s32 $0x1B8E;
	s24 =	sld [smem:$0x3FFE];
	[sflag:s23] =	ssyncadd.s32 $0xFFFFFFFF  }
0xa5: {  	s26 =	simm.s32 $execute0_lowered;
	[smem:$0x3FD2] =	sst s25  }
0xa6: {  	s5 =	sshll.u32 s26, $0x1;
	_ =	strace $0x80000046;
	[dreg:$0x1] =	wrdreg $0xFFFFFFFF  }
0xa7: {  	s28 =	simm.s32 $_size_execute0_lowered;
	s3 =	sadd.s32 s3, s5;
	[dreg:$0x0] =	wrdreg $0x0  }
0xa8: {  	s5 =	sshll.u32 s28, $0x1;
	[dreg:$0x2] =	wrdreg s3  }
0xa9: {  	[dreg:$0x3] =	wrdreg s5  }
0xaa: {  	[dreg:$0x4] =	wrdreg $0xC0  }
0xab: {  	_ =	task [dreg:s7], $0x5FFFF  }
0xac: {  	[dreg:$0x1] =	wrdreg $0xFFFFFFFF  }
0xad: {  	[dreg:$0x0] =	wrdreg $0x60  }
0xae: {  	[dreg:$0x2] =	wrdreg s24  }
0xaf: {  	[dreg:$0x3] =	wrdreg s2  }
0xb0: {  	[dreg:$0x4] =	wrdreg $0x1DC000  }
0xb1: {  	[dreg:$0x5] =	wrdreg $0x9  }
0xb2: {  	_ =	task.clear_ibuf [dreg:s7], $0x6FFFF;
	_ =	strace $0x90000046  }
0xb3: {  	s29 =	simm.s32 $0x9;
	_ =	strace $0x80000048  }
0xb4: {  	_ =	swait.ge [sflag:s29], $0x1  }
0xb5: {  	[sflag:s29] =	ssyncadd.s32 $0xFFFFFFFF  }
0xb6: {  	_ =	strace $0x90000048  }
0xb7: {  	_ =	sfence  }
0xb8: {  	s30 =	sld [smem:$0x0];
	_ =	sdelay $0x2  }
0xb9: {  	s31 =	sshll.u32 s1, $0xD;
	s1 =	sshrl.u32 s1, $0x2  }
0xba: {  	s3 =	sand.u32 $0x4000, s31;
	s1 =	sadd.s32 s1, s30  }
0xbb: {  	s0 =	sor.u32 s3, s0;
	s1 =	sshll.u32 s1, $0x11  }
0xbc: {  	s0 =	sor.u32 s1, s0  }
0xbd: {  	s0 =	sadd.s32 $0x8F2B, s0  }
0xbe: {  	[sflag:s0] =	ssyncadd.remote.s32 $0x1  }
0xbf: {  	_ =	sfence.sel $0xFFFF  }
0xc0: {  	[dreg:$0x0] =	wrdreg $0xFFFFFFFF;
	(pc) =	sbr.abs _section_cstart, $3  }
0xc1: {  	[dreg:$0x1] =	wrdreg $0xFFFFFFFF  }
0xc2: {  	_ =	task.clear_ibuf [dreg:s7], $0x2FFFF;
	_ =	strace $0x9FFFFFFF  }
0xc3: {  	(tm) =	ssettm $0x7FFFFFFF  }
tec
execute0_lowered:
.L_overlay_start_1:
0x0: {  	(tag) =	ssettag $0x1  }
0x1: {  	s4 =	rddreg [dreg:$0x0];
	s0 =	srdreg.scid  }
0x2: {  	s9 =	stileid.u32;
	s5 =	rddreg [dreg:$0x1]  }
0x3: {  	s1 =	rddreg [dreg:$0x2];
	s2 =	simm.s32 $0x0;
	s8 =	smul.u32 $0x1F8000, s9  }
0x4: {  	s6 =	sand.u32 $0x1, s0;
	s0 =	rddreg [dreg:$0x3];
	s12 =	smul.u32 $0x3F00, s9  }
0x5: {  	s25 =	sshll.u32 s9, $0x1;
	[smem:$0x7FF] =	sst s2;
	s15 =	smul.u32 $0x3F0, s9  }
0x6: {  	s3 =	sadd.s32 $0x3FA00, s4;
	s13 =	sadd.s32 $0xA00, s4;
	s10 =	smul.u32 $0xFC000, s6  }
0x7: {  	p0 =	sne.s32 s9, $0x0;
	s16 =	sor.u32 s6, s25;
	s14 =	smul.u32 $0x1F80, s6  }
0x8: {  	_ =	strace $0x80000047;
	s11 =	ssub.s32 $0x2, s6;
	s30 =	smul.u32 $0x1F8, s6  }
0x9: {  	s9 =	sshrl.u32 @!p0 s1, $0x3;
	s7 =	smul.u32 $0x1F80, s16;
	s26 =	sshrl.u32 s11, $0x1  }
0xa: {  	s28 =	sadd.s32 s8, s5;
	s29 =	sadd.s32 s12, s13;
	s12 =	simm.s32 $0x2  }
.Ltmp0:
0xb: {  	p1 =	seq.s32 s16, $0x1F;
	s16 =	simm.s32 $0x0;
	(pc) =	sbr.rel .LBB2_1-.Ltmp0, $4  }
0xc: {  	s11 =	ssub.s32 s11, s26;
	s6 =	sadd.s32 s10, s28;
	s31 =	sadd.s32 s14, s29  }
0xd: {  	s8 =	sadd.s32 s30, s15;
	s10 =	simm.s32 $0x80;
	s14 =	simm.s32 $0x5  }
0xe: {  	s15 =	simm.s32 $0xDC00;
	s4 =	sadd.s32 s13, s7;
	s5 =	smax.u32 s11, $0x1  }
0xf: {  	s7 =	sadd.s32 $0x1C0, s31;
	s11 =	simm.s32 $0x19C00;
	s13 =	simm.s32 $0x1C00  }
.LBB2_8:
0x10: {  	s17 =	simm.s32 @!p1 $0x9  }
0x11: {  	_ =	swait.ge @!p1 [sflag:s17], $0x4000  }
0x12: {  	[sflag:s17] =	ssyncset.done @!p1 $0x0  }
0x13: {  	[sflag:s17] =	ssyncadd.s32 @!p1 $0xFFFFC000;
	s17 =	simm.s32 @!p1 $0xA  }
0x14: {  	_ =	swait.ge @!p1 [sflag:s17], $0x4000  }
0x15: {  	[sflag:s17] =	ssyncset.done @!p1 $0x0  }
0x16: {  	[sflag:s17] =	ssyncadd.s32 @!p1 $0xFFFFC000;
	s17 =	simm.s32 @!p1 $0xB  }
0x17: {  	_ =	swait.ge @!p1 [sflag:s17], $0x4000  }
0x18: {  	[sflag:s17] =	ssyncset.done @!p1 $0x0  }
0x19: {  	[sflag:s17] =	ssyncadd.s32 @!p1 $0xFFFFC000;
	s17 =	simm.s32 @!p1 $0xC  }
0x1a: {  	_ =	swait.ge @!p1 [sflag:s17], $0x4000  }
0x1b: {  	[sflag:s17] =	ssyncset.done @!p1 $0x0  }
0x1c: {  	[sflag:s17] =	ssyncadd.s32 @!p1 $0xFFFFC000;
	s17 =	simm.s32 @!p1 $0xD  }
0x1d: {  	_ =	swait.ge @!p1 [sflag:s17], $0x4000  }
0x1e: {  	[sflag:s17] =	ssyncset.done @!p1 $0x0  }
0x1f: {  	s16 =	sadd.s32 $0x1, s16;
	[sflag:s17] =	ssyncadd.s32 @!p1 $0xFFFFC000;
	s17 =	simm.s32 @!p1 $0xE  }
0x20: {  	p2 =	sne.s32 s16, s5;
	_ =	swait.ge @!p1 [sflag:s17], $0x4000  }
.Ltmp1:
0x21: {  	[sflag:s17] =	ssyncset.done @!p1 $0x0;
	(pc) =	sbr.rel @!p2 .LBB2_9-.Ltmp1, $4  }
0x22: {  	[sflag:s17] =	ssyncadd.s32 @!p1 $0xFFFFC000;
	s17 =	simm.s32 @!p1 $0xF  }
0x23: {  	_ =	swait.ge @!p1 [sflag:s17], $0x4000  }
0x24: {  	[sflag:s17] =	ssyncset.done @!p1 $0x0  }
0x25: {  	[sflag:s17] =	ssyncadd.s32 @!p1 $0xFFFFC000  }
.LBB2_1:
0x26: {  	s17 =	simm.s32 @!p0 $0x1C10  }
0x27: {  	[spmem:s9], [sflag:s17] =	dma.local @!p0 [hbm:s3], $0x800  }
0x28: {  	s17 =	simm.s32 @!p0 $0x10  }
.Ltmp2:
0x29: {  	_ =	swait.ge @!p0 [sflag:s17], $0x800;
	(pc) =	sbr.rel .LBB2_2-.Ltmp2, $4  }
0x2a: {  	[sflag:s17] =	ssyncset.done @!p0 $0x0  }
0x2b: {  	s18 =	smov.u32 s7;
	s19 =	simm.s32 $0x0;
	[sflag:s17] =	ssyncadd.s32 @!p0 $0xFFFFF800  }
0x2c: {  	s20 =	simm.s32 $0x0;
	s17 =	smov.u32 s8;
	[bflag:$0x0] =	sbarrier.arrive $0xFFFF  }
0x2d: {  	[tilespmem:s2], [sflag:$0x1] =	stream.linear.gather [hbm4b:s4+s2], $0xE00, $0x38;
	[tilespmem:$0x1E000] =	vst v63  }
.LBB2_7:
0x2e: {  	s19 =	sadd.s32 $0x3800, s19  }
0x2f: {  	p2 =	sne.s32 s19, $0xFC000  }
.Ltmp3:
0x30: {  	_ = 	snop;
	(pc) =	sbr.rel @!p2 .LBB2_8-.Ltmp3, $2  }
0x31: {  	_ =	sdelay $0x2  }
0x32: {  	s20 =	sadd.s32 $0x1, s20;
	s18 =	sadd.s32 $0x70, s18;
	s17 =	sadd.s32 $0x7, s17  }
.LBB2_2:
0x33: {  	s21 =	sand.u32 $0x3, s20  }
0x34: {  	p2 =	sne.s32 s21, $0x0  }
0x35: {  	s22 =	sshrl.u32 s20, $0x2;
	p3 =	sgt.u32 @!p2 s20, $0x43  }
0x36: {  	s22 =	sand.u32 $0x1, s22;
	s23 =	simm.s32 @!p2 $0x1;
	p3 =	por p3, p2  }
0x37: {  	_ =	swait.ge @!p2 [sflag:s23], $0xE00;
	s24 =	sxor.u32 @!p3 $0x1, s22  }
0x38: {  	p4 =	seq.s32 s19, $0x0;
	[sflag:s23] =	ssyncset.done @!p2 $0x0;
	s24 =	smul.u32 @!p3 $0x3800, s24  }
0x39: {  	s21 =	smul.u32 $0x380, s21;
	[sflag:s23] =	ssyncadd.s32 @!p2 $0xFFFFF200;
	p2 =	sgt.u32 @!p4 s17, $0x3D0F  }
0x3a: {  	p2 =	por p2, p4;
	s23 =	sshrl.u32 @!p3 s24, $0x2;
	s24 =	simm.s32 @!p3 $0x0  }
0x3b: {  	[tilespmem:s23], [sflag:$0x1] =	stream.linear.gather @!p3 [hbm4b:s18+s24], $0xE00, $0x38;
	[tilespmem:$0x1E000] =	vst v63  }
0x3c: {  	s22 =	smul.u32 $0xE00, s22;
	s23 =	simm.s32 @!p2 $0x9  }
0x3d: {  	p5 =	sgt.u32 s17, $0x3D08;
	_ =	swait.ge @!p2 [sflag:s23], $0x4000  }
0x3e: {  	s21 =	sadd.s32 s21, s22;
	s22 =	simm.s32 @!p5 $0x80;
	[sflag:s23] =	ssyncset.done @!p2 $0x0  }
0x3f: {  	[sflag:s23] =	ssyncadd.s32 @!p2 $0xFFFFC000;
	s23 =	simm.s32 @!p5 $0x1C00;
	p2 =	sgt.u32 @!p4 s17, $0x3D0E  }
0x40: {  	[tilespmem:s23], [sflag:$0x2] =	stream.indirect.gather @!p5 [spmem:s1], $0x80, s21, s22, $0xb8;
	[tilespmem:$0x1E000] =	vst v63  }
0x41: {  	p2 =	por p2, p4  }
0x42: {  	s22 =	simm.s32 @!p2 $0xA  }
0x43: {  	p3 =	sgt.u32 s17, $0x3D07;
	_ =	swait.ge @!p2 [sflag:s22], $0x4000  }
0x44: {  	s24 =	simm.s32 @!p3 $0x5C00;
	s23 =	simm.s32 @!p3 $0x80;
	[sflag:s22] =	ssyncset.done @!p2 $0x0  }
0x45: {  	[sflag:s22] =	ssyncadd.s32 @!p2 $0xFFFFC000;
	s22 =	sadd.s32 @!p3 $0x80, s21;
	p2 =	sgt.u32 @!p4 s17, $0x3D0D  }
0x46: {  	[tilespmem:s24], [sflag:$0x3] =	stream.indirect.gather @!p3 [spmem:s1], $0x80, s22, s23, $0xb8;
	[tilespmem:$0x1E000] =	vst v63  }
0x47: {  	p2 =	por p2, p4  }
0x48: {  	s22 =	simm.s32 @!p2 $0xB  }
0x49: {  	_ =	swait.ge @!p2 [sflag:s22], $0x4000  }
0x4a: {  	[sflag:s22] =	ssyncset.done @!p2 $0x0  }
0x4b: {  	[sflag:s22] =	ssyncadd.s32 @!p2 $0xFFFFC000;
	p2 =	sgt.u32 s17, $0x3D06  }
0x4c: {  	s22 =	sadd.s32 @!p2 $0x100, s21;
	s23 =	simm.s32 @!p2 $0x80;
	s24 =	simm.s32 @!p2 $0x9C00  }
0x4d: {  	[tilespmem:s24], [sflag:$0x4] =	stream.indirect.gather @!p2 [spmem:s1], $0x80, s22, s23, $0xb8;
	[tilespmem:$0x1E000] =	vst v63  }
0x4e: {  	p2 =	sgt.u32 @!p4 s17, $0x3D0C  }
0x4f: {  	p2 =	por p2, p4  }
0x50: {  	s22 =	simm.s32 @!p2 $0xC  }
0x51: {  	_ =	swait.ge @!p2 [sflag:s22], $0x4000  }
0x52: {  	[sflag:s22] =	ssyncset.done @!p2 $0x0  }
0x53: {  	[sflag:s22] =	ssyncadd.s32 @!p2 $0xFFFFC000;
	p2 =	sgt.u32 s17, $0x3D05  }
0x54: {  	s22 =	sadd.s32 @!p2 $0x180, s21;
	s23 =	simm.s32 @!p2 $0x80;
	s24 =	simm.s32 @!p2 $0xDC00  }
0x55: {  	[tilespmem:s24], [sflag:$0x5] =	stream.indirect.gather @!p2 [spmem:s1], $0x80, s22, s23, $0xb8;
	[tilespmem:$0x1E000] =	vst v63  }
0x56: {  	p2 =	sgt.u32 @!p4 s17, $0x3D0B  }
0x57: {  	p2 =	por p2, p4  }
0x58: {  	s22 =	simm.s32 @!p2 $0xD  }
0x59: {  	_ =	swait.ge @!p2 [sflag:s22], $0x4000  }
0x5a: {  	p6 =	sgt.u32 @!p4 s17, $0x3D0A;
	[sflag:s22] =	ssyncset.done @!p2 $0x0  }
0x5b: {  	p6 =	por p6, p4;
	[sflag:s22] =	ssyncadd.s32 @!p2 $0xFFFFC000;
	p2 =	sgt.u32 s17, $0x3D04  }
0x5c: {  	s22 =	sadd.s32 @!p2 $0x200, s21;
	s23 =	simm.s32 @!p2 $0x80;
	s24 =	simm.s32 @!p2 $0x11C00  }
0x5d: {  	[tilespmem:s24], [sflag:$0x6] =	stream.indirect.gather @!p2 [spmem:s1], $0x80, s22, s23, $0xb8;
	[tilespmem:$0x1E000] =	vst v63  }
0x5e: {  	s22 =	simm.s32 @!p6 $0xE  }
0x5f: {  	_ =	swait.ge @!p6 [sflag:s22], $0x4000  }
0x60: {  	[sflag:s22] =	ssyncset.done @!p6 $0x0  }
0x61: {  	[sflag:s22] =	ssyncadd.s32 @!p6 $0xFFFFC000;
	p6 =	sgt.u32 s17, $0x3D03  }
0x62: {  	s22 =	sadd.s32 @!p6 $0x280, s21;
	s23 =	simm.s32 @!p6 $0x80;
	s24 =	simm.s32 @!p6 $0x15C00  }
0x63: {  	[tilespmem:s24], [sflag:$0x7] =	stream.indirect.gather @!p6 [spmem:s1], $0x80, s22, s23, $0xb8;
	[tilespmem:$0x1E000] =	vst v63  }
0x64: {  	p6 =	sgt.u32 @!p4 s17, $0x3D09  }
0x65: {  	p4 =	por p6, p4;
	p6 =	sgt.u32 s17, $0x3D02  }
.Ltmp4:
0x66: {  	_ = 	snop;
	(pc) =	sbr.rel @p6 .LBB2_4-.Ltmp4, $4  }
0x67: {  	s22 =	simm.s32 @!p4 $0xF  }
0x68: {  	_ =	swait.ge @!p4 [sflag:s22], $0x4000  }
0x69: {  	[sflag:s22] =	ssyncset.done @!p4 $0x0  }
0x6a: {  	[sflag:s22] =	ssyncadd.s32 @!p4 $0xFFFFC000  }
.Ltmp5:
0x6b: {  	(pc) =	sbr.rel .LBB2_5-.Ltmp5, $3  }
0x6c: {  	_ =	sdelay $0x1  }
0x6d: {  	s21 =	sadd.s32 $0x300, s21  }
0x6e: {  	[tilespmem:s11], [sflag:$0x8] =	stream.indirect.gather [spmem:s1], $0x80, s21, s10, $0xb8;
	[tilespmem:$0x1E000] =	vst v63  }
.LBB2_4:
.Ltmp6:
0x6f: {  	(pc) =	sbr.rel @p5 .LBB2_7-.Ltmp6, $1  }
0x70: {  	_ =	sdelay $0x3  }
.LBB2_5:
0x71: {  	_ =	swait.ge [sflag:s12], $0x4000  }
0x72: {  	[sflag:s12] =	ssyncset.done $0x0  }
0x73: {  	s21 =	sadd.s32 s19, s6;
	s22 =	simm.s32 @!p3 $0x3;
	[sflag:s12] =	ssyncadd.s32 $0xFFFFC000  }
0x74: {  	[hbm4b:s21+s2] =	stream.linear.scatter [tilespmem:s13], [sflag:$0x9], $0x4000, $0x38;
	[tilespmem:$0x1E000] =	vst v63  }
0x75: {  	_ =	swait.ge @!p3 [sflag:s22], $0x4000  }
0x76: {  	[sflag:s22] =	ssyncset.done @!p3 $0x0  }
0x77: {  	p4 =	sgt.u32 @!p3 s17, $0x3D06;
	[sflag:s22] =	ssyncadd.s32 @!p3 $0xFFFFC000;
	s22 =	sadd.s32 @!p3 s19, s6  }
0x78: {  	s23 =	simm.s32 @!p3 $0x0;
	s24 =	simm.s32 @!p3 $0x5C00;
	s22 =	sadd.s32 @!p3 $0x800, s22  }
0x79: {  	[hbm4b:s22+s23] =	stream.linear.scatter @!p3 [tilespmem:s24], [sflag:$0xA], $0x4000, $0x38;
	[tilespmem:$0x1E000] =	vst v63  }
0x7a: {  	p3 =	por p3, p4  }
0x7b: {  	s22 =	simm.s32 @!p3 $0x4  }
0x7c: {  	_ =	swait.ge @!p3 [sflag:s22], $0x4000  }
0x7d: {  	[sflag:s22] =	ssyncset.done @!p3 $0x0  }
0x7e: {  	p4 =	sgt.u32 @!p3 s17, $0x3D05;
	[sflag:s22] =	ssyncadd.s32 @!p3 $0xFFFFC000;
	s22 =	sadd.s32 @!p3 s19, s6  }
0x7f: {  	s23 =	simm.s32 @!p3 $0x0;
	s24 =	simm.s32 @!p3 $0x9C00;
	s22 =	sadd.s32 @!p3 $0x1000, s22  }
0x80: {  	[hbm4b:s22+s23] =	stream.linear.scatter @!p3 [tilespmem:s24], [sflag:$0xB], $0x4000, $0x38;
	[tilespmem:$0x1E000] =	vst v63  }
0x81: {  	p3 =	por p3, p4  }
.Ltmp7:
0x82: {  	_ = 	snop;
	(pc) =	sbr.rel @p3 .LBB2_7-.Ltmp7, $1  }
0x83: {  	_ =	sdelay $0x3  }
0x84: {  	_ =	swait.ge [sflag:s14], $0x4000  }
0x85: {  	[sflag:s14] =	ssyncset.done $0x0  }
0x86: {  	s21 =	sadd.s32 $0x1800, s21;
	[sflag:s14] =	ssyncadd.s32 $0xFFFFC000  }
0x87: {  	[hbm4b:s21+s2] =	stream.linear.scatter [tilespmem:s15], [sflag:$0xC], $0x4000, $0x38;
	[tilespmem:$0x1E000] =	vst v63  }
0x88: {  	s21 =	simm.s32 @!p2 $0x6  }
0x89: {  	_ =	swait.ge @!p2 [sflag:s21], $0x4000  }
0x8a: {  	p3 =	sgt.u32 @!p2 s17, $0x3D03;
	[sflag:s21] =	ssyncset.done @!p2 $0x0  }
0x8b: {  	s22 =	simm.s32 @!p2 $0x0;
	[sflag:s21] =	ssyncadd.s32 @!p2 $0xFFFFC000;
	s21 =	sadd.s32 @!p2 s19, s6  }
0x8c: {  	s23 =	simm.s32 @!p2 $0x11C00;
	p4 =	por p3, p2;
	s21 =	sadd.s32 @!p2 $0x2000, s21  }
0x8d: {  	[hbm4b:s21+s22] =	stream.linear.scatter @!p2 [tilespmem:s23], [sflag:$0xD], $0x4000, $0x38;
	[tilespmem:$0x1E000] =	vst v63  }
0x8e: {  	s21 =	simm.s32 @!p4 $0x7  }
0x8f: {  	p5 =	sgt.u32 @!p4 s17, $0x3D02;
	_ =	swait.ge @!p4 [sflag:s21], $0x4000  }
0x90: {  	p3 =	por @!p2 p5, p3;
	[sflag:s21] =	ssyncset.done @!p4 $0x0  }
0x91: {  	s22 =	simm.s32 @!p4 $0x0;
	[sflag:s21] =	ssyncadd.s32 @!p4 $0xFFFFC000;
	s21 =	sadd.s32 @!p4 s19, s6  }
0x92: {  	s23 =	simm.s32 @!p4 $0x15C00;
	p2 =	por p3, p2;
	s21 =	sadd.s32 @!p4 $0x2800, s21  }
0x93: {  	[hbm4b:s21+s22] =	stream.linear.scatter @!p4 [tilespmem:s23], [sflag:$0xE], $0x4000, $0x38;
	[tilespmem:$0x1E000] =	vst v63  }
0x94: {  	s21 =	simm.s32 @!p2 $0x8  }
.Ltmp8:
0x95: {  	_ =	swait.ge @!p2 [sflag:s21], $0x4000;
	(pc) =	sbr.rel .LBB2_7-.Ltmp8, $4  }
0x96: {  	[sflag:s21] =	ssyncset.done @!p2 $0x0  }
0x97: {  	[sflag:s21] =	ssyncadd.s32 @!p2 $0xFFFFC000;
	s21 =	sadd.s32 @!p2 s19, s6  }
0x98: {  	s22 =	simm.s32 @!p2 $0x0;
	s23 =	simm.s32 @!p2 $0x19C00;
	s21 =	sadd.s32 @!p2 $0x3000, s21  }
0x99: {  	[hbm4b:s21+s22] =	stream.linear.scatter @!p2 [tilespmem:s23], [sflag:$0xF], $0x4000, $0x38;
	[tilespmem:$0x1E000] =	vst v63  }
.LBB2_9:
0x9a: {  	_ =	sfence.sel $0x180000  }
0x9b: {  	[bflag:$0x0] =	sbarrier.arrive $0xFFFF  }
0x9c: {  	_ =	strace $0x90000047  }
0x9d: {  	s0 =	sadd.s32 @!p0 $0x100000, s0;
	[bflag:$0x2] =	sbarrier.arrive $0xFFFF  }
0x9e: {  	[sflag:s0] =	ssyncadd.tile.s32 @!p0 $0x1;
	_ =	shalt  }
.Lfunc_end2:
_tile_overlayer_lowered:
.L_overlay_start_2:
0x9f: {  	(tag) =	ssettag $0x2  }
0xa0: {  	s0 =	rddreg [dreg:$0x0];
	s2 =	stileid.u32  }
0xa1: {  	s1 =	rddreg [dreg:$0x1];
	p0 =	sne.s32 s2, $0x0  }
0xa2: {  	s3 =	rddreg [dreg:$0x2];
	[bflag:$0x3] =	sbarrier.arrive $0xFFFF;
	s2 =	simm.s32 @!p0 $0x1C10  }
0xa3: {  	[timem:s3], [sflag:s2] =	dma.local @!p0 [hbm:s0], s1  }
0xa4: {  	s0 =	simm.s32 @!p0 $0x10  }
0xa5: {  	_ =	swait.ge @!p0 [sflag:s0], s1  }
0xa6: {  	s1 =	ssub.s32 @!p0 $0x0, s1;
	[sflag:s0] =	ssyncset.done @!p0 $0x0  }
0xa7: {  	[sflag:s0] =	ssyncadd.s32 @!p0 s1  }
0xa8: {  	[bflag:$0x3] =	sbarrier.arrive $0xFFFF  }
0xa9: {  	_ =	shalt  }

</sc_bundles>
